<compile_context>
chip_gen: v7x
topology: tpu7x:2x2x1
jax: 0.10.2.dev20260603
libtpu: 0.0.44.dev20260713+nightly
codegen_flags: <defaults>
</compile_context>

<pallas_src>
import functools

import jax
import jax.numpy as jnp
from jax import lax
from jax.experimental import pallas as pl
from jax.experimental.pallas import tpu as pltpu
from jax.experimental.pallas import tpu_sc as plsc

D_MODEL = 64

_info = plsc.get_sparse_core_info()
_NC = _info.num_cores
_NS = _info.num_subcores
_NW = _NC * _NS


@functools.lru_cache(maxsize=None)
def _make_gather_t(S0, S1):
    NB = S0 // 128
    T_PER_W = NB // _NW
    JH = S1 // 2
    NBLK = JH * T_PER_W
    mesh = plsc.VectorSubcoreMesh(core_axis_name="c", subcore_axis_name="s")

    @functools.partial(
        pl.kernel,
        mesh=mesh,
        out_type=jax.ShapeDtypeStruct((S1, 8, NB, 8, 128), jnp.float32),
        scratch_types=[
            pltpu.VMEM((JH, 128 * T_PER_W), jnp.int32),
            pltpu.VMEM((128, D_MODEL), jnp.float32),
            pltpu.VMEM((128, D_MODEL), jnp.float32),
            pltpu.VMEM((8, 8, 129), jnp.float32),
            pltpu.VMEM((8, 8, 129), jnp.float32),
            pltpu.SemaphoreType.DMA,
            pltpu.SemaphoreType.DMA,
            pltpu.SemaphoreType.DMA,
            pltpu.SemaphoreType.DMA,
        ],
        compiler_params=pltpu.CompilerParams(
            use_tc_tiling_on_sc=False, needs_layout_passes=False),
    )
    def gather_kernel(xt_hbm, w_hbm, out_hbm, xslab, rows0, rows1,
                      tblk0, tblk1, g0, g1, o0, o1):
        rows = (rows0, rows1)
        tblk = (tblk0, tblk1)
        gs = (g0, g1)
        os_ = (o0, o1)
        wid = lax.axis_index("s") * _NC + lax.axis_index("c")
        tc0 = wid * T_PER_W

        lanes = lax.iota(jnp.int32, 16)
        trv = [lax.shift_right_logical(d0 * 16 + lanes, 3) for d0 in range(4)]
        rv = [lax.bitwise_and(d0 * 16 + lanes, 7) for d0 in range(4)]

        def coords(i):
            jj = lax.shift_right_logical(i, 2)
            t = lax.bitwise_and(i, 3)
            return jj, t

        def gather_start(i, b):
            jj, t = coords(i)
            idx_ref = xslab.at[jj, pl.ds(t * 128, 128)]
            pltpu.async_copy(w_hbm.at[idx_ref], rows[b], gs[b])

        def gather_wait(b):
            pltpu.make_async_copy(
                w_hbm.at[xslab.at[0, pl.ds(0, 128)]], rows[b], gs[b]).wait()

        def transpose(b):
            def tbody(cq, carry):
                cbase = lax.broadcast(cq * 8, (16,))
                for cc in range(8):
                    c = 8 * cq + cc
                    cvec = cbase + cc
                    vs = [rows[b][c, pl.ds(d0 * 16, 16)] for d0 in range(4)]
                    for d0 in range(4):
                        plsc.store_scatter(tblk[b], [trv[d0], rv[d0], cvec],
                                           vs[d0])
                return carry

            lax.fori_loop(0, 16, tbody, 0)

        def out_start(i, j0, b):
            jj, t = coords(i)
            pltpu.async_copy(tblk[b].at[:, :, pl.ds(0, 128)],
                             out_hbm.at[j0 + jj, :, tc0 + t], os_[b])

        def out_wait(b):
            pltpu.make_async_copy(tblk[b].at[:, :, pl.ds(0, 128)],
                                  out_hbm.at[0, :, 0], os_[b]).wait()

        def half(h, carry):
            j0 = h * JH
            pltpu.sync_copy(
                xt_hbm.at[pl.ds(j0, JH), pl.ds(tc0 * 128, 128 * T_PER_W)],
                xslab)
            gather_start(0, 0)
            gather_start(1, 1)
            gather_wait(0)
            transpose(0)
            out_start(0, j0, 0)
            gather_start(2, 0)
            gather_wait(1)
            transpose(1)
            out_start(1, j0, 1)

            def body(k, carry2):
                i0 = 2 * k
                gather_start(i0 + 1, 1)
                gather_wait(0)
                out_wait(0)
                transpose(0)
                out_start(i0, j0, 0)

                @pl.when(k < NBLK // 2 - 1)
                def _():
                    gather_start(i0 + 2, 0)

                gather_wait(1)
                out_wait(1)
                transpose(1)
                out_start(i0 + 1, j0, 1)
                return carry2

            lax.fori_loop(1, NBLK // 2, body, 0)
            out_wait(0)
            out_wait(1)
            return carry

        lax.fori_loop(0, 2, half, 0)

    return gather_kernel


def kernel(x, W):
    S0, S1 = x.shape
    xt = jnp.swapaxes(x, 0, 1).astype(jnp.int32)
    out5 = _make_gather_t(S0, S1)(xt, W)
    return out5.transpose(2, 4, 0, 1, 3).reshape(S0, S1, D_MODEL)

# --- scband reference (transcript-rebuilt; emitter-appended) ---
"""Pipeline reference for scband-fixed-embedding-13288628814005 (READ-ONLY COPY).

The authoritative reference and input builder live on the scoring server;
editing this copy changes nothing except your own understanding.
"""

import jax, jax.numpy as jnp
import numpy as np
import math

C_IN = 100000
D_MODEL = 64

def _build_fixed_table():
    position = jnp.arange(0, C_IN, dtype=jnp.float32)[:, None]
    div_term = jnp.exp(jnp.arange(0, D_MODEL, 2, dtype=jnp.float32) * (-math.log(10000.0) / D_MODEL))
    w = jnp.zeros((C_IN, D_MODEL), dtype=jnp.float32)
    w = w.at[:, 0::2].set(jnp.sin(position * div_term))
    w = w.at[:, 1::2].set(jnp.cos(position * div_term))
    return w

def setup_inputs(seed: int = 0) -> dict:
    key = jax.random.key(seed)
    x = jax.random.randint(key, (16384, 200), 0, C_IN, dtype=jnp.int64 if jax.config.jax_enable_x64 else jnp.int32)
    W = _build_fixed_table()
    return {"x": x, "W": W}

def reference(x, W):
    # embedding lookup; original module detaches the output (fixed, non-learned table)
    out = jnp.take(W, x, axis=0)
    out = jax.lax.stop_gradient(out)
    return out

if __name__ == "__main__":
    import jax
    _d = setup_inputs()
    print(jax.jit(kernel)(*tuple(_d.values())))

</pallas_src>

<mosaic_0001>
#map = affine_map<(d0, d1) -> (0, 0)>
#map1 = affine_map<(d0, d1) -> (0, 0, 0, 0, 0)>
module attributes {stable_mosaic.version = 14 : i64} {
  func.func @gather_kernel(%arg0: i32, %arg1: i32, %arg2: memref<200x16384xi32, #tpu.memory_space<hbm>>, %arg3: memref<100000x64xf32, #tpu.memory_space<hbm>>, %arg4: memref<200x8x128x8x128xf32, #tpu.memory_space<hbm>>, %arg5: memref<100x512xi32, #tpu.memory_space<vmem>>, %arg6: memref<128x64xf32, #tpu.memory_space<vmem>>, %arg7: memref<128x64xf32, #tpu.memory_space<vmem>>, %arg8: memref<8x8x129xf32, #tpu.memory_space<vmem>>, %arg9: memref<8x8x129xf32, #tpu.memory_space<vmem>>, %arg10: memref<!tpu.dma_semaphore, #tpu.memory_space<semaphore_mem>>, %arg11: memref<!tpu.dma_semaphore, #tpu.memory_space<semaphore_mem>>, %arg12: memref<!tpu.dma_semaphore, #tpu.memory_space<semaphore_mem>>, %arg13: memref<!tpu.dma_semaphore, #tpu.memory_space<semaphore_mem>>) attributes {dimension_semantics = [#tpu.dimension_semantics<core_parallel>, #tpu.dimension_semantics<subcore_parallel>], iteration_bounds = array<i64: 2, 16>, scalar_prefetch = 0 : i64, scratch_operands = 9 : i64, tpu.core_type = #tpu.core_type<sc_vector_subcore>, window_params = [{transform_indices = #map}, {transform_indices = #map}, {transform_indices = #map1}]} {
    %mul3A = arith.constant 2 : i32
    %mul3A_0 = arith.muli %arg1, %mul3A : i32
    %add3A = arith.addi %mul3A_0, %arg0 : i32
    %mul3A_1 = arith.constant 4 : i32
    %mul3A_2 = arith.muli %add3A, %mul3A_1 : i32
    %iota3A = tpu.iota {dimensions = array<i32: 0>} : vector<16xi32>
    %add3A_3 = arith.constant 0 : i32
    %add3A_4 = vector.broadcast %add3A_3 : i32 to vector<16xi32>
    %add3A_5 = arith.addi %add3A_4, %iota3A : vector<16xi32>
    %shift_right_logical3A = arith.constant 3 : i32
    %shift_right_logical3A_6 = vector.broadcast %shift_right_logical3A : i32 to vector<16xi32>
    %shift_right_logical3A_7 = arith.shrui %add3A_5, %shift_right_logical3A_6 : vector<16xi32>
    %add3A_8 = arith.constant 16 : i32
    %add3A_9 = vector.broadcast %add3A_8 : i32 to vector<16xi32>
    %add3A_10 = arith.addi %add3A_9, %iota3A : vector<16xi32>
    %shift_right_logical3A_11 = arith.constant 3 : i32
    %shift_right_logical3A_12 = vector.broadcast %shift_right_logical3A_11 : i32 to vector<16xi32>
    %shift_right_logical3A_13 = arith.shrui %add3A_10, %shift_right_logical3A_12 : vector<16xi32>
    %add3A_14 = arith.constant 32 : i32
    %add3A_15 = vector.broadcast %add3A_14 : i32 to vector<16xi32>
    %add3A_16 = arith.addi %add3A_15, %iota3A : vector<16xi32>
    %shift_right_logical3A_17 = arith.constant 3 : i32
    %shift_right_logical3A_18 = vector.broadcast %shift_right_logical3A_17 : i32 to vector<16xi32>
    %shift_right_logical3A_19 = arith.shrui %add3A_16, %shift_right_logical3A_18 : vector<16xi32>
    %add3A_20 = arith.constant 48 : i32
    %add3A_21 = vector.broadcast %add3A_20 : i32 to vector<16xi32>
    %add3A_22 = arith.addi %add3A_21, %iota3A : vector<16xi32>
    %shift_right_logical3A_23 = arith.constant 3 : i32
    %shift_right_logical3A_24 = vector.broadcast %shift_right_logical3A_23 : i32 to vector<16xi32>
    %shift_right_logical3A_25 = arith.shrui %add3A_22, %shift_right_logical3A_24 : vector<16xi32>
    %add3A_26 = arith.constant 0 : i32
    %add3A_27 = vector.broadcast %add3A_26 : i32 to vector<16xi32>
    %add3A_28 = arith.addi %add3A_27, %iota3A : vector<16xi32>
    %and3A = arith.constant 7 : i32
    %and3A_29 = vector.broadcast %and3A : i32 to vector<16xi32>
    %and3A_30 = arith.andi %add3A_28, %and3A_29 : vector<16xi32>
    %add3A_31 = arith.constant 16 : i32
    %add3A_32 = vector.broadcast %add3A_31 : i32 to vector<16xi32>
    %add3A_33 = arith.addi %add3A_32, %iota3A : vector<16xi32>
    %and3A_34 = arith.constant 7 : i32
    %and3A_35 = vector.broadcast %and3A_34 : i32 to vector<16xi32>
    %and3A_36 = arith.andi %add3A_33, %and3A_35 : vector<16xi32>
    %add3A_37 = arith.constant 32 : i32
    %add3A_38 = vector.broadcast %add3A_37 : i32 to vector<16xi32>
    %add3A_39 = arith.addi %add3A_38, %iota3A : vector<16xi32>
    %and3A_40 = arith.constant 7 : i32
    %and3A_41 = vector.broadcast %and3A_40 : i32 to vector<16xi32>
    %and3A_42 = arith.andi %add3A_39, %and3A_41 : vector<16xi32>
    %add3A_43 = arith.constant 48 : i32
    %add3A_44 = vector.broadcast %add3A_43 : i32 to vector<16xi32>
    %add3A_45 = arith.addi %add3A_44, %iota3A : vector<16xi32>
    %and3A_46 = arith.constant 7 : i32
    %and3A_47 = vector.broadcast %and3A_46 : i32 to vector<16xi32>
    %and3A_48 = arith.andi %add3A_45, %and3A_47 : vector<16xi32>
    %scan3A = arith.constant 0 : i32
    %scan3A_49 = arith.constant 0 : i32
    %scan3A_50 = arith.constant 2 : i32
    %scan3A_51 = arith.addi %scan3A_49, %scan3A_50 : i32
    %scan3A_52 = arith.constant 1 : i32
    scf.for %scan3A_54 = %scan3A_49 to %scan3A_51 step %scan3A_52  : i32 {
      %mul3A_55 = arith.constant 100 : i32
      %mul3A_56 = arith.muli %scan3A_54, %mul3A_55 : i32
      %mul3A_57 = arith.constant 128 : i32
      %mul3A_58 = arith.muli %mul3A_2, %mul3A_57 : i32
      "tpu.region"() ({
        %run_scoped3A = tpu.sem_alloc : memref<!tpu.dma_semaphore, #tpu.memory_space<semaphore_mem>>
        %dma_start3A_220 = tpu.memref_slice %arg2[%mul3A_56, %mul3A_58] : memref<200x16384xi32, #tpu.memory_space<hbm>> -> memref<100x512xi32, #tpu.memory_space<hbm>>
        %dma_start3A_221 = tpu.memref_slice %arg2[%mul3A_56, %mul3A_58] : memref<200x16384xi32, #tpu.memory_space<hbm>> -> memref<100x512xi32, #tpu.memory_space<hbm>>
        tpu.enqueue_dma source(%dma_start3A_221 : memref<100x512xi32, #tpu.memory_space<hbm>>) target(%arg5 : memref<100x512xi32, #tpu.memory_space<vmem>>) target_semaphore(%run_scoped3A : memref<!tpu.dma_semaphore, #tpu.memory_space<semaphore_mem>>)
        %dma_wait3A_222 = tpu.memref_slice %arg2[%mul3A_56, %mul3A_58] : memref<200x16384xi32, #tpu.memory_space<hbm>> -> memref<100x512xi32, #tpu.memory_space<hbm>>
        %dma_wait3A_223 = tpu.memref_slice %arg2[%mul3A_56, %mul3A_58] : memref<200x16384xi32, #tpu.memory_space<hbm>> -> memref<100x512xi32, #tpu.memory_space<hbm>>
        tpu.wait_dma2 semaphore(%run_scoped3A : memref<!tpu.dma_semaphore, #tpu.memory_space<semaphore_mem>>) src(%dma_wait3A_223 : memref<100x512xi32, #tpu.memory_space<hbm>>) dst(%arg5 : memref<100x512xi32, #tpu.memory_space<vmem>>)
        tpu.yield
      }) : () -> ()
      %shift_right_logical3A_59 = arith.constant 0 : i32
      %shift_right_logical3A_60 = arith.constant 2 : i32
      %shift_right_logical3A_61 = arith.shrui %shift_right_logical3A_59, %shift_right_logical3A_60 : i32
      %and3A_62 = arith.constant 0 : i32
      %and3A_63 = arith.constant 3 : i32
      %and3A_64 = arith.andi %and3A_62, %and3A_63 : i32
      %mul3A_65 = arith.constant 128 : i32
      %mul3A_66 = arith.muli %and3A_64, %mul3A_65 : i32
      %dma_start3A = tpu.memref_slice %arg5[%shift_right_logical3A_61, %mul3A_66] : memref<100x512xi32, #tpu.memory_space<vmem>> -> memref<1x128xi32, #tpu.memory_space<vmem>>
      %dma_start3A_67 = tpu.memref_squeeze %dma_start3A : memref<1x128xi32, #tpu.memory_space<vmem>> -> memref<128xi32, #tpu.memory_space<vmem>>
      %dma_start3A_68 = arith.constant 0 : i32
      %dma_start3A_69 = arith.constant 0 : i32
      %dma_start3A_70 = tpu.memref_slice %arg3[%dma_start3A_68, %dma_start3A_69] : memref<100000x64xf32, #tpu.memory_space<hbm>> -> memref<100000x64xf32, #tpu.memory_space<hbm>>
      tpu.enqueue_indirect_dma source(%dma_start3A_70 : memref<100000x64xf32, #tpu.memory_space<hbm>>) target(%arg6 : memref<128x64xf32, #tpu.memory_space<vmem>>) offsets(%dma_start3A_67 : memref<128xi32, #tpu.memory_space<vmem>>) semaphore(%arg10 : memref<!tpu.dma_semaphore, #tpu.memory_space<semaphore_mem>>)
      %shift_right_logical3A_71 = arith.constant 1 : i32
      %shift_right_logical3A_72 = arith.constant 2 : i32
      %shift_right_logical3A_73 = arith.shrui %shift_right_logical3A_71, %shift_right_logical3A_72 : i32
      %and3A_74 = arith.constant 1 : i32
      %and3A_75 = arith.constant 3 : i32
      %and3A_76 = arith.andi %and3A_74, %and3A_75 : i32
      %mul3A_77 = arith.constant 128 : i32
      %mul3A_78 = arith.muli %and3A_76, %mul3A_77 : i32
      %dma_start3A_79 = tpu.memref_slice %arg5[%shift_right_logical3A_73, %mul3A_78] : memref<100x512xi32, #tpu.memory_space<vmem>> -> memref<1x128xi32, #tpu.memory_space<vmem>>
      %dma_start3A_80 = tpu.memref_squeeze %dma_start3A_79 : memref<1x128xi32, #tpu.memory_space<vmem>> -> memref<128xi32, #tpu.memory_space<vmem>>
      %dma_start3A_81 = arith.constant 0 : i32
      %dma_start3A_82 = arith.constant 0 : i32
      %dma_start3A_83 = tpu.memref_slice %arg3[%dma_start3A_81, %dma_start3A_82] : memref<100000x64xf32, #tpu.memory_space<hbm>> -> memref<100000x64xf32, #tpu.memory_space<hbm>>
      tpu.enqueue_indirect_dma source(%dma_start3A_83 : memref<100000x64xf32, #tpu.memory_space<hbm>>) target(%arg7 : memref<128x64xf32, #tpu.memory_space<vmem>>) offsets(%dma_start3A_80 : memref<128xi32, #tpu.memory_space<vmem>>) semaphore(%arg11 : memref<!tpu.dma_semaphore, #tpu.memory_space<semaphore_mem>>)
      %dma_wait3A = arith.constant 0 : i32
      %dma_wait3A_84 = arith.constant 0 : i32
      %dma_wait3A_85 = tpu.memref_slice %arg5[%dma_wait3A, %dma_wait3A_84] : memref<100x512xi32, #tpu.memory_space<vmem>> -> memref<1x128xi32, #tpu.memory_space<vmem>>
      %dma_wait3A_86 = tpu.memref_squeeze %dma_wait3A_85 : memref<1x128xi32, #tpu.memory_space<vmem>> -> memref<128xi32, #tpu.memory_space<vmem>>
      %dma_wait3A_87 = arith.constant 0 : i32
      %dma_wait3A_88 = arith.constant 0 : i32
      %dma_wait3A_89 = tpu.memref_slice %arg3[%dma_wait3A_87, %dma_wait3A_88] : memref<100000x64xf32, #tpu.memory_space<hbm>> -> memref<100000x64xf32, #tpu.memory_space<hbm>>
      tpu.wait_indirect_dma semaphore(%arg10 : memref<!tpu.dma_semaphore, #tpu.memory_space<semaphore_mem>>) src(%dma_wait3A_89 : memref<100000x64xf32, #tpu.memory_space<hbm>>) dst(%arg6 : memref<128x64xf32, #tpu.memory_space<vmem>>)
      %scan3A_90 = arith.constant 0 : i32
      %scan3A_91 = arith.constant 0 : i32
      %scan3A_92 = arith.constant 16 : i32
      %scan3A_93 = arith.addi %scan3A_91, %scan3A_92 : i32
      %scan3A_94 = arith.constant 1 : i32
      scf.for %scan3A_220 = %scan3A_91 to %scan3A_93 step %scan3A_94  : i32 {
        %mul3A_221 = arith.constant 8 : i32
        %mul3A_222 = arith.muli %scan3A_220, %mul3A_221 : i32
        %broadcast_in_dim3A = vector.broadcast %mul3A_222 : i32 to vector<16xi32>
        %mul3A_223 = arith.constant 8 : i32
        %mul3A_224 = arith.muli %mul3A_223, %scan3A_220 : i32
        %add3A_225 = arith.constant 0 : i32
        %add3A_226 = arith.addi %mul3A_224, %add3A_225 : i32
        %add3A_227 = arith.constant 0 : i32
        %add3A_228 = vector.broadcast %add3A_227 : i32 to vector<16xi32>
        %add3A_229 = arith.addi %broadcast_in_dim3A, %add3A_228 : vector<16xi32>
        %get3A = arith.index_cast %add3A_226 : i32 to index
        %get3A_230 = arith.constant 0 : index
        %get3A_231 = tpu.vector_load %arg6[%get3A, %get3A_230] {strides = array<i32>} : memref<128x64xf32, #tpu.memory_space<vmem>>, vector<16xf32>,
        %get3A_232 = arith.index_cast %add3A_226 : i32 to index
        %get3A_233 = arith.constant 16 : index
        %get3A_234 = tpu.vector_load %arg6[%get3A_232, %get3A_233] {strides = array<i32>} : memref<128x64xf32, #tpu.memory_space<vmem>>, vector<16xf32>,
        %get3A_235 = arith.index_cast %add3A_226 : i32 to index
        %get3A_236 = arith.constant 32 : index
        %get3A_237 = tpu.vector_load %arg6[%get3A_235, %get3A_236] {strides = array<i32>} : memref<128x64xf32, #tpu.memory_space<vmem>>, vector<16xf32>,
        %get3A_238 = arith.index_cast %add3A_226 : i32 to index
        %get3A_239 = arith.constant 48 : index
        %get3A_240 = tpu.vector_load %arg6[%get3A_238, %get3A_239] {strides = array<i32>} : memref<128x64xf32, #tpu.memory_space<vmem>>, vector<16xf32>,
        tpu.vector_store_idx %arg8[%shift_right_logical3A_7, %and3A_30, %add3A_229], %get3A_231 : memref<8x8x129xf32, #tpu.memory_space<vmem>>[vector<16xi32>, vector<16xi32>, vector<16xi32>], vector<16xf32>,
        tpu.vector_store_idx %arg8[%shift_right_logical3A_13, %and3A_36, %add3A_229], %get3A_234 : memref<8x8x129xf32, #tpu.memory_space<vmem>>[vector<16xi32>, vector<16xi32>, vector<16xi32>], vector<16xf32>,
        tpu.vector_store_idx %arg8[%shift_right_logical3A_19, %and3A_42, %add3A_229], %get3A_237 : memref<8x8x129xf32, #tpu.memory_space<vmem>>[vector<16xi32>, vector<16xi32>, vector<16xi32>], vector<16xf32>,
        tpu.vector_store_idx %arg8[%shift_right_logical3A_25, %and3A_48, %add3A_229], %get3A_240 : memref<8x8x129xf32, #tpu.memory_space<vmem>>[vector<16xi32>, vector<16xi32>, vector<16xi32>], vector<16xf32>,
        %mul3A_241 = arith.constant 8 : i32
        %mul3A_242 = arith.muli %mul3A_241, %scan3A_220 : i32
        %add3A_243 = arith.constant 1 : i32
        %add3A_244 = arith.addi %mul3A_242, %add3A_243 : i32
        %add3A_245 = arith.constant 1 : i32
        %add3A_246 = vector.broadcast %add3A_245 : i32 to vector<16xi32>
        %add3A_247 = arith.addi %broadcast_in_dim3A, %add3A_246 : vector<16xi32>
        %get3A_248 = arith.index_cast %add3A_244 : i32 to index
        %get3A_249 = arith.constant 0 : index
        %get3A_250 = tpu.vector_load %arg6[%get3A_248, %get3A_249] {strides = array<i32>} : memref<128x64xf32, #tpu.memory_space<vmem>>, vector<16xf32>,
        %get3A_251 = arith.index_cast %add3A_244 : i32 to index
        %get3A_252 = arith.constant 16 : index
        %get3A_253 = tpu.vector_load %arg6[%get3A_251, %get3A_252] {strides = array<i32>} : memref<128x64xf32, #tpu.memory_space<vmem>>, vector<16xf32>,
        %get3A_254 = arith.index_cast %add3A_244 : i32 to index
        %get3A_255 = arith.constant 32 : index
        %get3A_256 = tpu.vector_load %arg6[%get3A_254, %get3A_255] {strides = array<i32>} : memref<128x64xf32, #tpu.memory_space<vmem>>, vector<16xf32>,
        %get3A_257 = arith.index_cast %add3A_244 : i32 to index
        %get3A_258 = arith.constant 48 : index
        %get3A_259 = tpu.vector_load %arg6[%get3A_257, %get3A_258] {strides = array<i32>} : memref<128x64xf32, #tpu.memory_space<vmem>>, vector<16xf32>,
        tpu.vector_store_idx %arg8[%shift_right_logical3A_7, %and3A_30, %add3A_247], %get3A_250 : memref<8x8x129xf32, #tpu.memory_space<vmem>>[vector<16xi32>, vector<16xi32>, vector<16xi32>], vector<16xf32>,
        tpu.vector_store_idx %arg8[%shift_right_logical3A_13, %and3A_36, %add3A_247], %get3A_253 : memref<8x8x129xf32, #tpu.memory_space<vmem>>[vector<16xi32>, vector<16xi32>, vector<16xi32>], vector<16xf32>,
        tpu.vector_store_idx %arg8[%shift_right_logical3A_19, %and3A_42, %add3A_247], %get3A_256 : memref<8x8x129xf32, #tpu.memory_space<vmem>>[vector<16xi32>, vector<16xi32>, vector<16xi32>], vector<16xf32>,
        tpu.vector_store_idx %arg8[%shift_right_logical3A_25, %and3A_48, %add3A_247], %get3A_259 : memref<8x8x129xf32, #tpu.memory_space<vmem>>[vector<16xi32>, vector<16xi32>, vector<16xi32>], vector<16xf32>,
        %mul3A_260 = arith.constant 8 : i32
        %mul3A_261 = arith.muli %mul3A_260, %scan3A_220 : i32
        %add3A_262 = arith.constant 2 : i32
        %add3A_263 = arith.addi %mul3A_261, %add3A_262 : i32
        %add3A_264 = arith.constant 2 : i32
        %add3A_265 = vector.broadcast %add3A_264 : i32 to vector<16xi32>
        %add3A_266 = arith.addi %broadcast_in_dim3A, %add3A_265 : vector<16xi32>
        %get3A_267 = arith.index_cast %add3A_263 : i32 to index
        %get3A_268 = arith.constant 0 : index
        %get3A_269 = tpu.vector_load %arg6[%get3A_267, %get3A_268] {strides = array<i32>} : memref<128x64xf32, #tpu.memory_space<vmem>>, vector<16xf32>,
        %get3A_270 = arith.index_cast %add3A_263 : i32 to index
        %get3A_271 = arith.constant 16 : index
        %get3A_272 = tpu.vector_load %arg6[%get3A_270, %get3A_271] {strides = array<i32>} : memref<128x64xf32, #tpu.memory_space<vmem>>, vector<16xf32>,
        %get3A_273 = arith.index_cast %add3A_263 : i32 to index
        %get3A_274 = arith.constant 32 : index
        %get3A_275 = tpu.vector_load %arg6[%get3A_273, %get3A_274] {strides = array<i32>} : memref<128x64xf32, #tpu.memory_space<vmem>>, vector<16xf32>,
        %get3A_276 = arith.index_cast %add3A_263 : i32 to index
        %get3A_277 = arith.constant 48 : index
        %get3A_278 = tpu.vector_load %arg6[%get3A_276, %get3A_277] {strides = array<i32>} : memref<128x64xf32, #tpu.memory_space<vmem>>, vector<16xf32>,
        tpu.vector_store_idx %arg8[%shift_right_logical3A_7, %and3A_30, %add3A_266], %get3A_269 : memref<8x8x129xf32, #tpu.memory_space<vmem>>[vector<16xi32>, vector<16xi32>, vector<16xi32>], vector<16xf32>,
        tpu.vector_store_idx %arg8[%shift_right_logical3A_13, %and3A_36, %add3A_266], %get3A_272 : memref<8x8x129xf32, #tpu.memory_space<vmem>>[vector<16xi32>, vector<16xi32>, vector<16xi32>], vector<16xf32>,
        tpu.vector_store_idx %arg8[%shift_right_logical3A_19, %and3A_42, %add3A_266], %get3A_275 : memref<8x8x129xf32, #tpu.memory_space<vmem>>[vector<16xi32>, vector<16xi32>, vector<16xi32>], vector<16xf32>,
        tpu.vector_store_idx %arg8[%shift_right_logical3A_25, %and3A_48, %add3A_266], %get3A_278 : memref<8x8x129xf32, #tpu.memory_space<vmem>>[vector<16xi32>, vector<16xi32>, vector<16xi32>], vector<16xf32>,
        %mul3A_279 = arith.constant 8 : i32
        %mul3A_280 = arith.muli %mul3A_279, %scan3A_220 : i32
        %add3A_281 = arith.constant 3 : i32
        %add3A_282 = arith.addi %mul3A_280, %add3A_281 : i32
        %add3A_283 = arith.constant 3 : i32
        %add3A_284 = vector.broadcast %add3A_283 : i32 to vector<16xi32>
        %add3A_285 = arith.addi %broadcast_in_dim3A, %add3A_284 : vector<16xi32>
        %get3A_286 = arith.index_cast %add3A_282 : i32 to index
        %get3A_287 = arith.constant 0 : index
        %get3A_288 = tpu.vector_load %arg6[%get3A_286, %get3A_287] {strides = array<i32>} : memref<128x64xf32, #tpu.memory_space<vmem>>, vector<16xf32>,
        %get3A_289 = arith.index_cast %add3A_282 : i32 to index
        %get3A_290 = arith.constant 16 : index
        %get3A_291 = tpu.vector_load %arg6[%get3A_289, %get3A_290] {strides = array<i32>} : memref<128x64xf32, #tpu.memory_space<vmem>>, vector<16xf32>,
        %get3A_292 = arith.index_cast %add3A_282 : i32 to index
        %get3A_293 = arith.constant 32 : index
        %get3A_294 = tpu.vector_load %arg6[%get3A_292, %get3A_293] {strides = array<i32>} : memref<128x64xf32, #tpu.memory_space<vmem>>, vector<16xf32>,
        %get3A_295 = arith.index_cast %add3A_282 : i32 to index
        %get3A_296 = arith.constant 48 : index
        %get3A_297 = tpu.vector_load %arg6[%get3A_295, %get3A_296] {strides = array<i32>} : memref<128x64xf32, #tpu.memory_space<vmem>>, vector<16xf32>,
        tpu.vector_store_idx %arg8[%shift_right_logical3A_7, %and3A_30, %add3A_285], %get3A_288 : memref<8x8x129xf32, #tpu.memory_space<vmem>>[vector<16xi32>, vector<16xi32>, vector<16xi32>], vector<16xf32>,
        tpu.vector_store_idx %arg8[%shift_right_logical3A_13, %and3A_36, %add3A_285], %get3A_291 : memref<8x8x129xf32, #tpu.memory_space<vmem>>[vector<16xi32>, vector<16xi32>, vector<16xi32>], vector<16xf32>,
        tpu.vector_store_idx %arg8[%shift_right_logical3A_19, %and3A_42, %add3A_285], %get3A_294 : memref<8x8x129xf32, #tpu.memory_space<vmem>>[vector<16xi32>, vector<16xi32>, vector<16xi32>], vector<16xf32>,
        tpu.vector_store_idx %arg8[%shift_right_logical3A_25, %and3A_48, %add3A_285], %get3A_297 : memref<8x8x129xf32, #tpu.memory_space<vmem>>[vector<16xi32>, vector<16xi32>, vector<16xi32>], vector<16xf32>,
        %mul3A_298 = arith.constant 8 : i32
        %mul3A_299 = arith.muli %mul3A_298, %scan3A_220 : i32
        %add3A_300 = arith.constant 4 : i32
        %add3A_301 = arith.addi %mul3A_299, %add3A_300 : i32
        %add3A_302 = arith.constant 4 : i32
        %add3A_303 = vector.broadcast %add3A_302 : i32 to vector<16xi32>
        %add3A_304 = arith.addi %broadcast_in_dim3A, %add3A_303 : vector<16xi32>
        %get3A_305 = arith.index_cast %add3A_301 : i32 to index
        %get3A_306 = arith.constant 0 : index
        %get3A_307 = tpu.vector_load %arg6[%get3A_305, %get3A_306] {strides = array<i32>} : memref<128x64xf32, #tpu.memory_space<vmem>>, vector<16xf32>,
        %get3A_308 = arith.index_cast %add3A_301 : i32 to index
        %get3A_309 = arith.constant 16 : index
        %get3A_310 = tpu.vector_load %arg6[%get3A_308, %get3A_309] {strides = array<i32>} : memref<128x64xf32, #tpu.memory_space<vmem>>, vector<16xf32>,
        %get3A_311 = arith.index_cast %add3A_301 : i32 to index
        %get3A_312 = arith.constant 32 : index
        %get3A_313 = tpu.vector_load %arg6[%get3A_311, %get3A_312] {strides = array<i32>} : memref<128x64xf32, #tpu.memory_space<vmem>>, vector<16xf32>,
        %get3A_314 = arith.index_cast %add3A_301 : i32 to index
        %get3A_315 = arith.constant 48 : index
        %get3A_316 = tpu.vector_load %arg6[%get3A_314, %get3A_315] {strides = array<i32>} : memref<128x64xf32, #tpu.memory_space<vmem>>, vector<16xf32>,
        tpu.vector_store_idx %arg8[%shift_right_logical3A_7, %and3A_30, %add3A_304], %get3A_307 : memref<8x8x129xf32, #tpu.memory_space<vmem>>[vector<16xi32>, vector<16xi32>, vector<16xi32>], vector<16xf32>,
        tpu.vector_store_idx %arg8[%shift_right_logical3A_13, %and3A_36, %add3A_304], %get3A_310 : memref<8x8x129xf32, #tpu.memory_space<vmem>>[vector<16xi32>, vector<16xi32>, vector<16xi32>], vector<16xf32>,
        tpu.vector_store_idx %arg8[%shift_right_logical3A_19, %and3A_42, %add3A_304], %get3A_313 : memref<8x8x129xf32, #tpu.memory_space<vmem>>[vector<16xi32>, vector<16xi32>, vector<16xi32>], vector<16xf32>,
        tpu.vector_store_idx %arg8[%shift_right_logical3A_25, %and3A_48, %add3A_304], %get3A_316 : memref<8x8x129xf32, #tpu.memory_space<vmem>>[vector<16xi32>, vector<16xi32>, vector<16xi32>], vector<16xf32>,
        %mul3A_317 = arith.constant 8 : i32
        %mul3A_318 = arith.muli %mul3A_317, %scan3A_220 : i32
        %add3A_319 = arith.constant 5 : i32
        %add3A_320 = arith.addi %mul3A_318, %add3A_319 : i32
        %add3A_321 = arith.constant 5 : i32
        %add3A_322 = vector.broadcast %add3A_321 : i32 to vector<16xi32>
        %add3A_323 = arith.addi %broadcast_in_dim3A, %add3A_322 : vector<16xi32>
        %get3A_324 = arith.index_cast %add3A_320 : i32 to index
        %get3A_325 = arith.constant 0 : index
        %get3A_326 = tpu.vector_load %arg6[%get3A_324, %get3A_325] {strides = array<i32>} : memref<128x64xf32, #tpu.memory_space<vmem>>, vector<16xf32>,
        %get3A_327 = arith.index_cast %add3A_320 : i32 to index
        %get3A_328 = arith.constant 16 : index
        %get3A_329 = tpu.vector_load %arg6[%get3A_327, %get3A_328] {strides = array<i32>} : memref<128x64xf32, #tpu.memory_space<vmem>>, vector<16xf32>,
        %get3A_330 = arith.index_cast %add3A_320 : i32 to index
        %get3A_331 = arith.constant 32 : index
        %get3A_332 = tpu.vector_load %arg6[%get3A_330, %get3A_331] {strides = array<i32>} : memref<128x64xf32, #tpu.memory_space<vmem>>, vector<16xf32>,
        %get3A_333 = arith.index_cast %add3A_320 : i32 to index
        %get3A_334 = arith.constant 48 : index
        %get3A_335 = tpu.vector_load %arg6[%get3A_333, %get3A_334] {strides = array<i32>} : memref<128x64xf32, #tpu.memory_space<vmem>>, vector<16xf32>,
        tpu.vector_store_idx %arg8[%shift_right_logical3A_7, %and3A_30, %add3A_323], %get3A_326 : memref<8x8x129xf32, #tpu.memory_space<vmem>>[vector<16xi32>, vector<16xi32>, vector<16xi32>], vector<16xf32>,
        tpu.vector_store_idx %arg8[%shift_right_logical3A_13, %and3A_36, %add3A_323], %get3A_329 : memref<8x8x129xf32, #tpu.memory_space<vmem>>[vector<16xi32>, vector<16xi32>, vector<16xi32>], vector<16xf32>,
        tpu.vector_store_idx %arg8[%shift_right_logical3A_19, %and3A_42, %add3A_323], %get3A_332 : memref<8x8x129xf32, #tpu.memory_space<vmem>>[vector<16xi32>, vector<16xi32>, vector<16xi32>], vector<16xf32>,
        tpu.vector_store_idx %arg8[%shift_right_logical3A_25, %and3A_48, %add3A_323], %get3A_335 : memref<8x8x129xf32, #tpu.memory_space<vmem>>[vector<16xi32>, vector<16xi32>, vector<16xi32>], vector<16xf32>,
        %mul3A_336 = arith.constant 8 : i32
        %mul3A_337 = arith.muli %mul3A_336, %scan3A_220 : i32
        %add3A_338 = arith.constant 6 : i32
        %add3A_339 = arith.addi %mul3A_337, %add3A_338 : i32
        %add3A_340 = arith.constant 6 : i32
        %add3A_341 = vector.broadcast %add3A_340 : i32 to vector<16xi32>
        %add3A_342 = arith.addi %broadcast_in_dim3A, %add3A_341 : vector<16xi32>
        %get3A_343 = arith.index_cast %add3A_339 : i32 to index
        %get3A_344 = arith.constant 0 : index
        %get3A_345 = tpu.vector_load %arg6[%get3A_343, %get3A_344] {strides = array<i32>} : memref<128x64xf32, #tpu.memory_space<vmem>>, vector<16xf32>,
        %get3A_346 = arith.index_cast %add3A_339 : i32 to index
        %get3A_347 = arith.constant 16 : index
        %get3A_348 = tpu.vector_load %arg6[%get3A_346, %get3A_347] {strides = array<i32>} : memref<128x64xf32, #tpu.memory_space<vmem>>, vector<16xf32>,
        %get3A_349 = arith.index_cast %add3A_339 : i32 to index
        %get3A_350 = arith.constant 32 : index
        %get3A_351 = tpu.vector_load %arg6[%get3A_349, %get3A_350] {strides = array<i32>} : memref<128x64xf32, #tpu.memory_space<vmem>>, vector<16xf32>,
        %get3A_352 = arith.index_cast %add3A_339 : i32 to index
        %get3A_353 = arith.constant 48 : index
        %get3A_354 = tpu.vector_load %arg6[%get3A_352, %get3A_353] {strides = array<i32>} : memref<128x64xf32, #tpu.memory_space<vmem>>, vector<16xf32>,
        tpu.vector_store_idx %arg8[%shift_right_logical3A_7, %and3A_30, %add3A_342], %get3A_345 : memref<8x8x129xf32, #tpu.memory_space<vmem>>[vector<16xi32>, vector<16xi32>, vector<16xi32>], vector<16xf32>,
        tpu.vector_store_idx %arg8[%shift_right_logical3A_13, %and3A_36, %add3A_342], %get3A_348 : memref<8x8x129xf32, #tpu.memory_space<vmem>>[vector<16xi32>, vector<16xi32>, vector<16xi32>], vector<16xf32>,
        tpu.vector_store_idx %arg8[%shift_right_logical3A_19, %and3A_42, %add3A_342], %get3A_351 : memref<8x8x129xf32, #tpu.memory_space<vmem>>[vector<16xi32>, vector<16xi32>, vector<16xi32>], vector<16xf32>,
        tpu.vector_store_idx %arg8[%shift_right_logical3A_25, %and3A_48, %add3A_342], %get3A_354 : memref<8x8x129xf32, #tpu.memory_space<vmem>>[vector<16xi32>, vector<16xi32>, vector<16xi32>], vector<16xf32>,
        %mul3A_355 = arith.constant 8 : i32
        %mul3A_356 = arith.muli %mul3A_355, %scan3A_220 : i32
        %add3A_357 = arith.constant 7 : i32
        %add3A_358 = arith.addi %mul3A_356, %add3A_357 : i32
        %add3A_359 = arith.constant 7 : i32
        %add3A_360 = vector.broadcast %add3A_359 : i32 to vector<16xi32>
        %add3A_361 = arith.addi %broadcast_in_dim3A, %add3A_360 : vector<16xi32>
        %get3A_362 = arith.index_cast %add3A_358 : i32 to index
        %get3A_363 = arith.constant 0 : index
        %get3A_364 = tpu.vector_load %arg6[%get3A_362, %get3A_363] {strides = array<i32>} : memref<128x64xf32, #tpu.memory_space<vmem>>, vector<16xf32>,
        %get3A_365 = arith.index_cast %add3A_358 : i32 to index
        %get3A_366 = arith.constant 16 : index
        %get3A_367 = tpu.vector_load %arg6[%get3A_365, %get3A_366] {strides = array<i32>} : memref<128x64xf32, #tpu.memory_space<vmem>>, vector<16xf32>,
        %get3A_368 = arith.index_cast %add3A_358 : i32 to index
        %get3A_369 = arith.constant 32 : index
        %get3A_370 = tpu.vector_load %arg6[%get3A_368, %get3A_369] {strides = array<i32>} : memref<128x64xf32, #tpu.memory_space<vmem>>, vector<16xf32>,
        %get3A_371 = arith.index_cast %add3A_358 : i32 to index
        %get3A_372 = arith.constant 48 : index
        %get3A_373 = tpu.vector_load %arg6[%get3A_371, %get3A_372] {strides = array<i32>} : memref<128x64xf32, #tpu.memory_space<vmem>>, vector<16xf32>,
        tpu.vector_store_idx %arg8[%shift_right_logical3A_7, %and3A_30, %add3A_361], %get3A_364 : memref<8x8x129xf32, #tpu.memory_space<vmem>>[vector<16xi32>, vector<16xi32>, vector<16xi32>], vector<16xf32>,
        tpu.vector_store_idx %arg8[%shift_right_logical3A_13, %and3A_36, %add3A_361], %get3A_367 : memref<8x8x129xf32, #tpu.memory_space<vmem>>[vector<16xi32>, vector<16xi32>, vector<16xi32>], vector<16xf32>,
        tpu.vector_store_idx %arg8[%shift_right_logical3A_19, %and3A_42, %add3A_361], %get3A_370 : memref<8x8x129xf32, #tpu.memory_space<vmem>>[vector<16xi32>, vector<16xi32>, vector<16xi32>], vector<16xf32>,
        tpu.vector_store_idx %arg8[%shift_right_logical3A_25, %and3A_48, %add3A_361], %get3A_373 : memref<8x8x129xf32, #tpu.memory_space<vmem>>[vector<16xi32>, vector<16xi32>, vector<16xi32>], vector<16xf32>,
      }
      %scan3A_95 = arith.constant 16 : i32
      %shift_right_logical3A_96 = arith.constant 0 : i32
      %shift_right_logical3A_97 = arith.constant 2 : i32
      %shift_right_logical3A_98 = arith.shrui %shift_right_logical3A_96, %shift_right_logical3A_97 : i32
      %and3A_99 = arith.constant 0 : i32
      %and3A_100 = arith.constant 3 : i32
      %and3A_101 = arith.andi %and3A_99, %and3A_100 : i32
      %add3A_102 = arith.addi %mul3A_56, %shift_right_logical3A_98 : i32
      %add3A_103 = arith.addi %mul3A_2, %and3A_101 : i32
      %dma_start3A_104 = arith.constant 0 : i32
      %dma_start3A_105 = arith.constant 0 : i32
      %dma_start3A_106 = arith.constant 0 : i32
      %dma_start3A_107 = tpu.memref_slice %arg8[%dma_start3A_104, %dma_start3A_105, %dma_start3A_106] : memref<8x8x129xf32, #tpu.memory_space<vmem>> -> memref<8x8x128xf32, #tpu.memory_space<vmem>>
      %dma_start3A_108 = arith.constant 0 : i32
      %dma_start3A_109 = arith.constant 0 : i32
      %dma_start3A_110 = arith.constant 0 : i32
      %dma_start3A_111 = tpu.memref_slice %arg4[%add3A_102, %dma_start3A_108, %add3A_103, %dma_start3A_109, %dma_start3A_110] : memref<200x8x128x8x128xf32, #tpu.memory_space<hbm>> -> memref<1x8x1x8x128xf32, #tpu.memory_space<hbm>>
      %dma_start3A_112 = tpu.memref_squeeze %dma_start3A_111 : memref<1x8x1x8x128xf32, #tpu.memory_space<hbm>> -> memref<8x8x128xf32, #tpu.memory_space<hbm>>
      %dma_start3A_113 = arith.constant 0 : i32
      %dma_start3A_114 = arith.constant 0 : i32
      %dma_start3A_115 = arith.constant 0 : i32
      %dma_start3A_116 = tpu.memref_slice %arg4[%add3A_102, %dma_start3A_113, %add3A_103, %dma_start3A_114, %dma_start3A_115] : memref<200x8x128x8x128xf32, #tpu.memory_space<hbm>> -> memref<1x8x1x8x128xf32, #tpu.memory_space<hbm>>
      %dma_start3A_117 = tpu.memref_squeeze %dma_start3A_116 : memref<1x8x1x8x128xf32, #tpu.memory_space<hbm>> -> memref<8x8x128xf32, #tpu.memory_space<hbm>>
      %dma_start3A_118 = arith.constant 0 : i32
      %dma_start3A_119 = arith.constant 0 : i32
      %dma_start3A_120 = arith.constant 0 : i32
      %dma_start3A_121 = tpu.memref_slice %arg8[%dma_start3A_118, %dma_start3A_119, %dma_start3A_120] : memref<8x8x129xf32, #tpu.memory_space<vmem>> -> memref<8x8x128xf32, #tpu.memory_space<vmem>>
      tpu.enqueue_dma source(%dma_start3A_121 : memref<8x8x128xf32, #tpu.memory_space<vmem>>) target(%dma_start3A_117 : memref<8x8x128xf32, #tpu.memory_space<hbm>>) target_semaphore(%arg12 : memref<!tpu.dma_semaphore, #tpu.memory_space<semaphore_mem>>)
      %shift_right_logical3A_122 = arith.constant 2 : i32
      %shift_right_logical3A_123 = arith.constant 2 : i32
      %shift_right_logical3A_124 = arith.shrui %shift_right_logical3A_122, %shift_right_logical3A_123 : i32
      %and3A_125 = arith.constant 2 : i32
      %and3A_126 = arith.constant 3 : i32
      %and3A_127 = arith.andi %and3A_125, %and3A_126 : i32
      %mul3A_128 = arith.constant 128 : i32
      %mul3A_129 = arith.muli %and3A_127, %mul3A_128 : i32
      %dma_start3A_130 = tpu.memref_slice %arg5[%shift_right_logical3A_124, %mul3A_129] : memref<100x512xi32, #tpu.memory_space<vmem>> -> memref<1x128xi32, #tpu.memory_space<vmem>>
      %dma_start3A_131 = tpu.memref_squeeze %dma_start3A_130 : memref<1x128xi32, #tpu.memory_space<vmem>> -> memref<128xi32, #tpu.memory_space<vmem>>
      %dma_start3A_132 = arith.constant 0 : i32
      %dma_start3A_133 = arith.constant 0 : i32
      %dma_start3A_134 = tpu.memref_slice %arg3[%dma_start3A_132, %dma_start3A_133] : memref<100000x64xf32, #tpu.memory_space<hbm>> -> memref<100000x64xf32, #tpu.memory_space<hbm>>
      tpu.enqueue_indirect_dma source(%dma_start3A_134 : memref<100000x64xf32, #tpu.memory_space<hbm>>) target(%arg6 : memref<128x64xf32, #tpu.memory_space<vmem>>) offsets(%dma_start3A_131 : memref<128xi32, #tpu.memory_space<vmem>>) semaphore(%arg10 : memref<!tpu.dma_semaphore, #tpu.memory_space<semaphore_mem>>)
      %dma_wait3A_135 = arith.constant 0 : i32
      %dma_wait3A_136 = arith.constant 0 : i32
      %dma_wait3A_137 = tpu.memref_slice %arg5[%dma_wait3A_135, %dma_wait3A_136] : memref<100x512xi32, #tpu.memory_space<vmem>> -> memref<1x128xi32, #tpu.memory_space<vmem>>
      %dma_wait3A_138 = tpu.memref_squeeze %dma_wait3A_137 : memref<1x128xi32, #tpu.memory_space<vmem>> -> memref<128xi32, #tpu.memory_space<vmem>>
      %dma_wait3A_139 = arith.constant 0 : i32
      %dma_wait3A_140 = arith.constant 0 : i32
      %dma_wait3A_141 = tpu.memref_slice %arg3[%dma_wait3A_139, %dma_wait3A_140] : memref<100000x64xf32, #tpu.memory_space<hbm>> -> memref<100000x64xf32, #tpu.memory_space<hbm>>
      tpu.wait_indirect_dma semaphore(%arg11 : memref<!tpu.dma_semaphore, #tpu.memory_space<semaphore_mem>>) src(%dma_wait3A_141 : memref<100000x64xf32, #tpu.memory_space<hbm>>) dst(%arg7 : memref<128x64xf32, #tpu.memory_space<vmem>>)
      %scan3A_142 = arith.constant 0 : i32
      %scan3A_143 = arith.constant 0 : i32
      %scan3A_144 = arith.constant 16 : i32
      %scan3A_145 = arith.addi %scan3A_143, %scan3A_144 : i32
      %scan3A_146 = arith.constant 1 : i32
      scf.for %scan3A_220 = %scan3A_143 to %scan3A_145 step %scan3A_146  : i32 {
        %mul3A_221 = arith.constant 8 : i32
        %mul3A_222 = arith.muli %scan3A_220, %mul3A_221 : i32
        %broadcast_in_dim3A = vector.broadcast %mul3A_222 : i32 to vector<16xi32>
        %mul3A_223 = arith.constant 8 : i32
        %mul3A_224 = arith.muli %mul3A_223, %scan3A_220 : i32
        %add3A_225 = arith.constant 0 : i32
        %add3A_226 = arith.addi %mul3A_224, %add3A_225 : i32
        %add3A_227 = arith.constant 0 : i32
        %add3A_228 = vector.broadcast %add3A_227 : i32 to vector<16xi32>
        %add3A_229 = arith.addi %broadcast_in_dim3A, %add3A_228 : vector<16xi32>
        %get3A = arith.index_cast %add3A_226 : i32 to index
        %get3A_230 = arith.constant 0 : index
        %get3A_231 = tpu.vector_load %arg7[%get3A, %get3A_230] {strides = array<i32>} : memref<128x64xf32, #tpu.memory_space<vmem>>, vector<16xf32>,
        %get3A_232 = arith.index_cast %add3A_226 : i32 to index
        %get3A_233 = arith.constant 16 : index
        %get3A_234 = tpu.vector_load %arg7[%get3A_232, %get3A_233] {strides = array<i32>} : memref<128x64xf32, #tpu.memory_space<vmem>>, vector<16xf32>,
        %get3A_235 = arith.index_cast %add3A_226 : i32 to index
        %get3A_236 = arith.constant 32 : index
        %get3A_237 = tpu.vector_load %arg7[%get3A_235, %get3A_236] {strides = array<i32>} : memref<128x64xf32, #tpu.memory_space<vmem>>, vector<16xf32>,
        %get3A_238 = arith.index_cast %add3A_226 : i32 to index
        %get3A_239 = arith.constant 48 : index
        %get3A_240 = tpu.vector_load %arg7[%get3A_238, %get3A_239] {strides = array<i32>} : memref<128x64xf32, #tpu.memory_space<vmem>>, vector<16xf32>,
        tpu.vector_store_idx %arg9[%shift_right_logical3A_7, %and3A_30, %add3A_229], %get3A_231 : memref<8x8x129xf32, #tpu.memory_space<vmem>>[vector<16xi32>, vector<16xi32>, vector<16xi32>], vector<16xf32>,
        tpu.vector_store_idx %arg9[%shift_right_logical3A_13, %and3A_36, %add3A_229], %get3A_234 : memref<8x8x129xf32, #tpu.memory_space<vmem>>[vector<16xi32>, vector<16xi32>, vector<16xi32>], vector<16xf32>,
        tpu.vector_store_idx %arg9[%shift_right_logical3A_19, %and3A_42, %add3A_229], %get3A_237 : memref<8x8x129xf32, #tpu.memory_space<vmem>>[vector<16xi32>, vector<16xi32>, vector<16xi32>], vector<16xf32>,
        tpu.vector_store_idx %arg9[%shift_right_logical3A_25, %and3A_48, %add3A_229], %get3A_240 : memref<8x8x129xf32, #tpu.memory_space<vmem>>[vector<16xi32>, vector<16xi32>, vector<16xi32>], vector<16xf32>,
        %mul3A_241 = arith.constant 8 : i32
        %mul3A_242 = arith.muli %mul3A_241, %scan3A_220 : i32
        %add3A_243 = arith.constant 1 : i32
        %add3A_244 = arith.addi %mul3A_242, %add3A_243 : i32
        %add3A_245 = arith.constant 1 : i32
        %add3A_246 = vector.broadcast %add3A_245 : i32 to vector<16xi32>
        %add3A_247 = arith.addi %broadcast_in_dim3A, %add3A_246 : vector<16xi32>
        %get3A_248 = arith.index_cast %add3A_244 : i32 to index
        %get3A_249 = arith.constant 0 : index
        %get3A_250 = tpu.vector_load %arg7[%get3A_248, %get3A_249] {strides = array<i32>} : memref<128x64xf32, #tpu.memory_space<vmem>>, vector<16xf32>,
        %get3A_251 = arith.index_cast %add3A_244 : i32 to index
        %get3A_252 = arith.constant 16 : index
        %get3A_253 = tpu.vector_load %arg7[%get3A_251, %get3A_252] {strides = array<i32>} : memref<128x64xf32, #tpu.memory_space<vmem>>, vector<16xf32>,
        %get3A_254 = arith.index_cast %add3A_244 : i32 to index
        %get3A_255 = arith.constant 32 : index
        %get3A_256 = tpu.vector_load %arg7[%get3A_254, %get3A_255] {strides = array<i32>} : memref<128x64xf32, #tpu.memory_space<vmem>>, vector<16xf32>,
        %get3A_257 = arith.index_cast %add3A_244 : i32 to index
        %get3A_258 = arith.constant 48 : index
        %get3A_259 = tpu.vector_load %arg7[%get3A_257, %get3A_258] {strides = array<i32>} : memref<128x64xf32, #tpu.memory_space<vmem>>, vector<16xf32>,
        tpu.vector_store_idx %arg9[%shift_right_logical3A_7, %and3A_30, %add3A_247], %get3A_250 : memref<8x8x129xf32, #tpu.memory_space<vmem>>[vector<16xi32>, vector<16xi32>, vector<16xi32>], vector<16xf32>,
        tpu.vector_store_idx %arg9[%shift_right_logical3A_13, %and3A_36, %add3A_247], %get3A_253 : memref<8x8x129xf32, #tpu.memory_space<vmem>>[vector<16xi32>, vector<16xi32>, vector<16xi32>], vector<16xf32>,
        tpu.vector_store_idx %arg9[%shift_right_logical3A_19, %and3A_42, %add3A_247], %get3A_256 : memref<8x8x129xf32, #tpu.memory_space<vmem>>[vector<16xi32>, vector<16xi32>, vector<16xi32>], vector<16xf32>,
        tpu.vector_store_idx %arg9[%shift_right_logical3A_25, %and3A_48, %add3A_247], %get3A_259 : memref<8x8x129xf32, #tpu.memory_space<vmem>>[vector<16xi32>, vector<16xi32>, vector<16xi32>], vector<16xf32>,
        %mul3A_260 = arith.constant 8 : i32
        %mul3A_261 = arith.muli %mul3A_260, %scan3A_220 : i32
        %add3A_262 = arith.constant 2 : i32
        %add3A_263 = arith.addi %mul3A_261, %add3A_262 : i32
        %add3A_264 = arith.constant 2 : i32
        %add3A_265 = vector.broadcast %add3A_264 : i32 to vector<16xi32>
        %add3A_266 = arith.addi %broadcast_in_dim3A, %add3A_265 : vector<16xi32>
        %get3A_267 = arith.index_cast %add3A_263 : i32 to index
        %get3A_268 = arith.constant 0 : index
        %get3A_269 = tpu.vector_load %arg7[%get3A_267, %get3A_268] {strides = array<i32>} : memref<128x64xf32, #tpu.memory_space<vmem>>, vector<16xf32>,
        %get3A_270 = arith.index_cast %add3A_263 : i32 to index
        %get3A_271 = arith.constant 16 : index
        %get3A_272 = tpu.vector_load %arg7[%get3A_270, %get3A_271] {strides = array<i32>} : memref<128x64xf32, #tpu.memory_space<vmem>>, vector<16xf32>,
        %get3A_273 = arith.index_cast %add3A_263 : i32 to index
        %get3A_274 = arith.constant 32 : index
        %get3A_275 = tpu.vector_load %arg7[%get3A_273, %get3A_274] {strides = array<i32>} : memref<128x64xf32, #tpu.memory_space<vmem>>, vector<16xf32>,
        %get3A_276 = arith.index_cast %add3A_263 : i32 to index
        %get3A_277 = arith.constant 48 : index
        %get3A_278 = tpu.vector_load %arg7[%get3A_276, %get3A_277] {strides = array<i32>} : memref<128x64xf32, #tpu.memory_space<vmem>>, vector<16xf32>,
        tpu.vector_store_idx %arg9[%shift_right_logical3A_7, %and3A_30, %add3A_266], %get3A_269 : memref<8x8x129xf32, #tpu.memory_space<vmem>>[vector<16xi32>, vector<16xi32>, vector<16xi32>], vector<16xf32>,
        tpu.vector_store_idx %arg9[%shift_right_logical3A_13, %and3A_36, %add3A_266], %get3A_272 : memref<8x8x129xf32, #tpu.memory_space<vmem>>[vector<16xi32>, vector<16xi32>, vector<16xi32>], vector<16xf32>,
        tpu.vector_store_idx %arg9[%shift_right_logical3A_19, %and3A_42, %add3A_266], %get3A_275 : memref<8x8x129xf32, #tpu.memory_space<vmem>>[vector<16xi32>, vector<16xi32>, vector<16xi32>], vector<16xf32>,
        tpu.vector_store_idx %arg9[%shift_right_logical3A_25, %and3A_48, %add3A_266], %get3A_278 : memref<8x8x129xf32, #tpu.memory_space<vmem>>[vector<16xi32>, vector<16xi32>, vector<16xi32>], vector<16xf32>,
        %mul3A_279 = arith.constant 8 : i32
        %mul3A_280 = arith.muli %mul3A_279, %scan3A_220 : i32
        %add3A_281 = arith.constant 3 : i32
        %add3A_282 = arith.addi %mul3A_280, %add3A_281 : i32
        %add3A_283 = arith.constant 3 : i32
        %add3A_284 = vector.broadcast %add3A_283 : i32 to vector<16xi32>
        %add3A_285 = arith.addi %broadcast_in_dim3A, %add3A_284 : vector<16xi32>
        %get3A_286 = arith.index_cast %add3A_282 : i32 to index
        %get3A_287 = arith.constant 0 : index
        %get3A_288 = tpu.vector_load %arg7[%get3A_286, %get3A_287] {strides = array<i32>} : memref<128x64xf32, #tpu.memory_space<vmem>>, vector<16xf32>,
        %get3A_289 = arith.index_cast %add3A_282 : i32 to index
        %get3A_290 = arith.constant 16 : index
        %get3A_291 = tpu.vector_load %arg7[%get3A_289, %get3A_290] {strides = array<i32>} : memref<128x64xf32, #tpu.memory_space<vmem>>, vector<16xf32>,
        %get3A_292 = arith.index_cast %add3A_282 : i32 to index
        %get3A_293 = arith.constant 32 : index
        %get3A_294 = tpu.vector_load %arg7[%get3A_292, %get3A_293] {strides = array<i32>} : memref<128x64xf32, #tpu.memory_space<vmem>>, vector<16xf32>,
        %get3A_295 = arith.index_cast %add3A_282 : i32 to index
        %get3A_296 = arith.constant 48 : index
        %get3A_297 = tpu.vector_load %arg7[%get3A_295, %get3A_296] {strides = array<i32>} : memref<128x64xf32, #tpu.memory_space<vmem>>, vector<16xf32>,
        tpu.vector_store_idx %arg9[%shift_right_logical3A_7, %and3A_30, %add3A_285], %get3A_288 : memref<8x8x129xf32, #tpu.memory_space<vmem>>[vector<16xi32>, vector<16xi32>, vector<16xi32>], vector<16xf32>,
        tpu.vector_store_idx %arg9[%shift_right_logical3A_13, %and3A_36, %add3A_285], %get3A_291 : memref<8x8x129xf32, #tpu.memory_space<vmem>>[vector<16xi32>, vector<16xi32>, vector<16xi32>], vector<16xf32>,
        tpu.vector_store_idx %arg9[%shift_right_logical3A_19, %and3A_42, %add3A_285], %get3A_294 : memref<8x8x129xf32, #tpu.memory_space<vmem>>[vector<16xi32>, vector<16xi32>, vector<16xi32>], vector<16xf32>,
        tpu.vector_store_idx %arg9[%shift_right_logical3A_25, %and3A_48, %add3A_285], %get3A_297 : memref<8x8x129xf32, #tpu.memory_space<vmem>>[vector<16xi32>, vector<16xi32>, vector<16xi32>], vector<16xf32>,
        %mul3A_298 = arith.constant 8 : i32
        %mul3A_299 = arith.muli %mul3A_298, %scan3A_220 : i32
        %add3A_300 = arith.constant 4 : i32
        %add3A_301 = arith.addi %mul3A_299, %add3A_300 : i32
        %add3A_302 = arith.constant 4 : i32
        %add3A_303 = vector.broadcast %add3A_302 : i32 to vector<16xi32>
        %add3A_304 = arith.addi %broadcast_in_dim3A, %add3A_303 : vector<16xi32>
        %get3A_305 = arith.index_cast %add3A_301 : i32 to index
        %get3A_306 = arith.constant 0 : index
        %get3A_307 = tpu.vector_load %arg7[%get3A_305, %get3A_306] {strides = array<i32>} : memref<128x64xf32, #tpu.memory_space<vmem>>, vector<16xf32>,
        %get3A_308 = arith.index_cast %add3A_301 : i32 to index
        %get3A_309 = arith.constant 16 : index
        %get3A_310 = tpu.vector_load %arg7[%get3A_308, %get3A_309] {strides = array<i32>} : memref<128x64xf32, #tpu.memory_space<vmem>>, vector<16xf32>,
        %get3A_311 = arith.index_cast %add3A_301 : i32 to index
        %get3A_312 = arith.constant 32 : index
        %get3A_313 = tpu.vector_load %arg7[%get3A_311, %get3A_312] {strides = array<i32>} : memref<128x64xf32, #tpu.memory_space<vmem>>, vector<16xf32>,
        %get3A_314 = arith.index_cast %add3A_301 : i32 to index
        %get3A_315 = arith.constant 48 : index
        %get3A_316 = tpu.vector_load %arg7[%get3A_314, %get3A_315] {strides = array<i32>} : memref<128x64xf32, #tpu.memory_space<vmem>>, vector<16xf32>,
        tpu.vector_store_idx %arg9[%shift_right_logical3A_7, %and3A_30, %add3A_304], %get3A_307 : memref<8x8x129xf32, #tpu.memory_space<vmem>>[vector<16xi32>, vector<16xi32>, vector<16xi32>], vector<16xf32>,
        tpu.vector_store_idx %arg9[%shift_right_logical3A_13, %and3A_36, %add3A_304], %get3A_310 : memref<8x8x129xf32, #tpu.memory_space<vmem>>[vector<16xi32>, vector<16xi32>, vector<16xi32>], vector<16xf32>,
        tpu.vector_store_idx %arg9[%shift_right_logical3A_19, %and3A_42, %add3A_304], %get3A_313 : memref<8x8x129xf32, #tpu.memory_space<vmem>>[vector<16xi32>, vector<16xi32>, vector<16xi32>], vector<16xf32>,
        tpu.vector_store_idx %arg9[%shift_right_logical3A_25, %and3A_48, %add3A_304], %get3A_316 : memref<8x8x129xf32, #tpu.memory_space<vmem>>[vector<16xi32>, vector<16xi32>, vector<16xi32>], vector<16xf32>,
        %mul3A_317 = arith.constant 8 : i32
        %mul3A_318 = arith.muli %mul3A_317, %scan3A_220 : i32
        %add3A_319 = arith.constant 5 : i32
        %add3A_320 = arith.addi %mul3A_318, %add3A_319 : i32
        %add3A_321 = arith.constant 5 : i32
        %add3A_322 = vector.broadcast %add3A_321 : i32 to vector<16xi32>
        %add3A_323 = arith.addi %broadcast_in_dim3A, %add3A_322 : vector<16xi32>
        %get3A_324 = arith.index_cast %add3A_320 : i32 to index
        %get3A_325 = arith.constant 0 : index
        %get3A_326 = tpu.vector_load %arg7[%get3A_324, %get3A_325] {strides = array<i32>} : memref<128x64xf32, #tpu.memory_space<vmem>>, vector<16xf32>,
        %get3A_327 = arith.index_cast %add3A_320 : i32 to index
        %get3A_328 = arith.constant 16 : index
        %get3A_329 = tpu.vector_load %arg7[%get3A_327, %get3A_328] {strides = array<i32>} : memref<128x64xf32, #tpu.memory_space<vmem>>, vector<16xf32>,
        %get3A_330 = arith.index_cast %add3A_320 : i32 to index
        %get3A_331 = arith.constant 32 : index
        %get3A_332 = tpu.vector_load %arg7[%get3A_330, %get3A_331] {strides = array<i32>} : memref<128x64xf32, #tpu.memory_space<vmem>>, vector<16xf32>,
        %get3A_333 = arith.index_cast %add3A_320 : i32 to index
        %get3A_334 = arith.constant 48 : index
        %get3A_335 = tpu.vector_load %arg7[%get3A_333, %get3A_334] {strides = array<i32>} : memref<128x64xf32, #tpu.memory_space<vmem>>, vector<16xf32>,
        tpu.vector_store_idx %arg9[%shift_right_logical3A_7, %and3A_30, %add3A_323], %get3A_326 : memref<8x8x129xf32, #tpu.memory_space<vmem>>[vector<16xi32>, vector<16xi32>, vector<16xi32>], vector<16xf32>,
        tpu.vector_store_idx %arg9[%shift_right_logical3A_13, %and3A_36, %add3A_323], %get3A_329 : memref<8x8x129xf32, #tpu.memory_space<vmem>>[vector<16xi32>, vector<16xi32>, vector<16xi32>], vector<16xf32>,
        tpu.vector_store_idx %arg9[%shift_right_logical3A_19, %and3A_42, %add3A_323], %get3A_332 : memref<8x8x129xf32, #tpu.memory_space<vmem>>[vector<16xi32>, vector<16xi32>, vector<16xi32>], vector<16xf32>,
        tpu.vector_store_idx %arg9[%shift_right_logical3A_25, %and3A_48, %add3A_323], %get3A_335 : memref<8x8x129xf32, #tpu.memory_space<vmem>>[vector<16xi32>, vector<16xi32>, vector<16xi32>], vector<16xf32>,
        %mul3A_336 = arith.constant 8 : i32
        %mul3A_337 = arith.muli %mul3A_336, %scan3A_220 : i32
        %add3A_338 = arith.constant 6 : i32
        %add3A_339 = arith.addi %mul3A_337, %add3A_338 : i32
        %add3A_340 = arith.constant 6 : i32
        %add3A_341 = vector.broadcast %add3A_340 : i32 to vector<16xi32>
        %add3A_342 = arith.addi %broadcast_in_dim3A, %add3A_341 : vector<16xi32>
        %get3A_343 = arith.index_cast %add3A_339 : i32 to index
        %get3A_344 = arith.constant 0 : index
        %get3A_345 = tpu.vector_load %arg7[%get3A_343, %get3A_344] {strides = array<i32>} : memref<128x64xf32, #tpu.memory_space<vmem>>, vector<16xf32>,
        %get3A_346 = arith.index_cast %add3A_339 : i32 to index
        %get3A_347 = arith.constant 16 : index
        %get3A_348 = tpu.vector_load %arg7[%get3A_346, %get3A_347] {strides = array<i32>} : memref<128x64xf32, #tpu.memory_space<vmem>>, vector<16xf32>,
        %get3A_349 = arith.index_cast %add3A_339 : i32 to index
        %get3A_350 = arith.constant 32 : index
        %get3A_351 = tpu.vector_load %arg7[%get3A_349, %get3A_350] {strides = array<i32>} : memref<128x64xf32, #tpu.memory_space<vmem>>, vector<16xf32>,
        %get3A_352 = arith.index_cast %add3A_339 : i32 to index
        %get3A_353 = arith.constant 48 : index
        %get3A_354 = tpu.vector_load %arg7[%get3A_352, %get3A_353] {strides = array<i32>} : memref<128x64xf32, #tpu.memory_space<vmem>>, vector<16xf32>,
        tpu.vector_store_idx %arg9[%shift_right_logical3A_7, %and3A_30, %add3A_342], %get3A_345 : memref<8x8x129xf32, #tpu.memory_space<vmem>>[vector<16xi32>, vector<16xi32>, vector<16xi32>], vector<16xf32>,
        tpu.vector_store_idx %arg9[%shift_right_logical3A_13, %and3A_36, %add3A_342], %get3A_348 : memref<8x8x129xf32, #tpu.memory_space<vmem>>[vector<16xi32>, vector<16xi32>, vector<16xi32>], vector<16xf32>,
        tpu.vector_store_idx %arg9[%shift_right_logical3A_19, %and3A_42, %add3A_342], %get3A_351 : memref<8x8x129xf32, #tpu.memory_space<vmem>>[vector<16xi32>, vector<16xi32>, vector<16xi32>], vector<16xf32>,
        tpu.vector_store_idx %arg9[%shift_right_logical3A_25, %and3A_48, %add3A_342], %get3A_354 : memref<8x8x129xf32, #tpu.memory_space<vmem>>[vector<16xi32>, vector<16xi32>, vector<16xi32>], vector<16xf32>,
        %mul3A_355 = arith.constant 8 : i32
        %mul3A_356 = arith.muli %mul3A_355, %scan3A_220 : i32
        %add3A_357 = arith.constant 7 : i32
        %add3A_358 = arith.addi %mul3A_356, %add3A_357 : i32
        %add3A_359 = arith.constant 7 : i32
        %add3A_360 = vector.broadcast %add3A_359 : i32 to vector<16xi32>
        %add3A_361 = arith.addi %broadcast_in_dim3A, %add3A_360 : vector<16xi32>
        %get3A_362 = arith.index_cast %add3A_358 : i32 to index
        %get3A_363 = arith.constant 0 : index
        %get3A_364 = tpu.vector_load %arg7[%get3A_362, %get3A_363] {strides = array<i32>} : memref<128x64xf32, #tpu.memory_space<vmem>>, vector<16xf32>,
        %get3A_365 = arith.index_cast %add3A_358 : i32 to index
        %get3A_366 = arith.constant 16 : index
        %get3A_367 = tpu.vector_load %arg7[%get3A_365, %get3A_366] {strides = array<i32>} : memref<128x64xf32, #tpu.memory_space<vmem>>, vector<16xf32>,
        %get3A_368 = arith.index_cast %add3A_358 : i32 to index
        %get3A_369 = arith.constant 32 : index
        %get3A_370 = tpu.vector_load %arg7[%get3A_368, %get3A_369] {strides = array<i32>} : memref<128x64xf32, #tpu.memory_space<vmem>>, vector<16xf32>,
        %get3A_371 = arith.index_cast %add3A_358 : i32 to index
        %get3A_372 = arith.constant 48 : index
        %get3A_373 = tpu.vector_load %arg7[%get3A_371, %get3A_372] {strides = array<i32>} : memref<128x64xf32, #tpu.memory_space<vmem>>, vector<16xf32>,
        tpu.vector_store_idx %arg9[%shift_right_logical3A_7, %and3A_30, %add3A_361], %get3A_364 : memref<8x8x129xf32, #tpu.memory_space<vmem>>[vector<16xi32>, vector<16xi32>, vector<16xi32>], vector<16xf32>,
        tpu.vector_store_idx %arg9[%shift_right_logical3A_13, %and3A_36, %add3A_361], %get3A_367 : memref<8x8x129xf32, #tpu.memory_space<vmem>>[vector<16xi32>, vector<16xi32>, vector<16xi32>], vector<16xf32>,
        tpu.vector_store_idx %arg9[%shift_right_logical3A_19, %and3A_42, %add3A_361], %get3A_370 : memref<8x8x129xf32, #tpu.memory_space<vmem>>[vector<16xi32>, vector<16xi32>, vector<16xi32>], vector<16xf32>,
        tpu.vector_store_idx %arg9[%shift_right_logical3A_25, %and3A_48, %add3A_361], %get3A_373 : memref<8x8x129xf32, #tpu.memory_space<vmem>>[vector<16xi32>, vector<16xi32>, vector<16xi32>], vector<16xf32>,
      }
      %scan3A_147 = arith.constant 16 : i32
      %shift_right_logical3A_148 = arith.constant 1 : i32
      %shift_right_logical3A_149 = arith.constant 2 : i32
      %shift_right_logical3A_150 = arith.shrui %shift_right_logical3A_148, %shift_right_logical3A_149 : i32
      %and3A_151 = arith.constant 1 : i32
      %and3A_152 = arith.constant 3 : i32
      %and3A_153 = arith.andi %and3A_151, %and3A_152 : i32
      %add3A_154 = arith.addi %mul3A_56, %shift_right_logical3A_150 : i32
      %add3A_155 = arith.addi %mul3A_2, %and3A_153 : i32
      %dma_start3A_156 = arith.constant 0 : i32
      %dma_start3A_157 = arith.constant 0 : i32
      %dma_start3A_158 = arith.constant 0 : i32
      %dma_start3A_159 = tpu.memref_slice %arg9[%dma_start3A_156, %dma_start3A_157, %dma_start3A_158] : memref<8x8x129xf32, #tpu.memory_space<vmem>> -> memref<8x8x128xf32, #tpu.memory_space<vmem>>
      %dma_start3A_160 = arith.constant 0 : i32
      %dma_start3A_161 = arith.constant 0 : i32
      %dma_start3A_162 = arith.constant 0 : i32
      %dma_start3A_163 = tpu.memref_slice %arg4[%add3A_154, %dma_start3A_160, %add3A_155, %dma_start3A_161, %dma_start3A_162] : memref<200x8x128x8x128xf32, #tpu.memory_space<hbm>> -> memref<1x8x1x8x128xf32, #tpu.memory_space<hbm>>
      %dma_start3A_164 = tpu.memref_squeeze %dma_start3A_163 : memref<1x8x1x8x128xf32, #tpu.memory_space<hbm>> -> memref<8x8x128xf32, #tpu.memory_space<hbm>>
      %dma_start3A_165 = arith.constant 0 : i32
      %dma_start3A_166 = arith.constant 0 : i32
      %dma_start3A_167 = arith.constant 0 : i32
      %dma_start3A_168 = tpu.memref_slice %arg4[%add3A_154, %dma_start3A_165, %add3A_155, %dma_start3A_166, %dma_start3A_167] : memref<200x8x128x8x128xf32, #tpu.memory_space<hbm>> -> memref<1x8x1x8x128xf32, #tpu.memory_space<hbm>>
      %dma_start3A_169 = tpu.memref_squeeze %dma_start3A_168 : memref<1x8x1x8x128xf32, #tpu.memory_space<hbm>> -> memref<8x8x128xf32, #tpu.memory_space<hbm>>
      %dma_start3A_170 = arith.constant 0 : i32
      %dma_start3A_171 = arith.constant 0 : i32
      %dma_start3A_172 = arith.constant 0 : i32
      %dma_start3A_173 = tpu.memref_slice %arg9[%dma_start3A_170, %dma_start3A_171, %dma_start3A_172] : memref<8x8x129xf32, #tpu.memory_space<vmem>> -> memref<8x8x128xf32, #tpu.memory_space<vmem>>
      tpu.enqueue_dma source(%dma_start3A_173 : memref<8x8x128xf32, #tpu.memory_space<vmem>>) target(%dma_start3A_169 : memref<8x8x128xf32, #tpu.memory_space<hbm>>) target_semaphore(%arg13 : memref<!tpu.dma_semaphore, #tpu.memory_space<semaphore_mem>>)
      %scan3A_174 = arith.constant 0 : i32
      %scan3A_175 = arith.constant 1 : i32
      %scan3A_176 = arith.constant 199 : i32
      %scan3A_177 = arith.addi %scan3A_175, %scan3A_176 : i32
      %scan3A_178 = arith.constant 1 : i32
      scf.for %scan3A_220 = %scan3A_175 to %scan3A_177 step %scan3A_178  : i32 {
        %mul3A_221 = arith.constant 2 : i32
        %mul3A_222 = arith.muli %mul3A_221, %scan3A_220 : i32
        %add3A_223 = arith.constant 1 : i32
        %add3A_224 = arith.addi %mul3A_222, %add3A_223 : i32
        %shift_right_logical3A_225 = arith.constant 2 : i32
        %shift_right_logical3A_226 = arith.shrui %add3A_224, %shift_right_logical3A_225 : i32
        %and3A_227 = arith.constant 3 : i32
        %and3A_228 = arith.andi %add3A_224, %and3A_227 : i32
        %mul3A_229 = arith.constant 128 : i32
        %mul3A_230 = arith.muli %and3A_228, %mul3A_229 : i32
        %dma_start3A_231 = tpu.memref_slice %arg5[%shift_right_logical3A_226, %mul3A_230] : memref<100x512xi32, #tpu.memory_space<vmem>> -> memref<1x128xi32, #tpu.memory_space<vmem>>
        %dma_start3A_232 = tpu.memref_squeeze %dma_start3A_231 : memref<1x128xi32, #tpu.memory_space<vmem>> -> memref<128xi32, #tpu.memory_space<vmem>>
        %dma_start3A_233 = arith.constant 0 : i32
        %dma_start3A_234 = arith.constant 0 : i32
        %dma_start3A_235 = tpu.memref_slice %arg3[%dma_start3A_233, %dma_start3A_234] : memref<100000x64xf32, #tpu.memory_space<hbm>> -> memref<100000x64xf32, #tpu.memory_space<hbm>>
        tpu.enqueue_indirect_dma source(%dma_start3A_235 : memref<100000x64xf32, #tpu.memory_space<hbm>>) target(%arg7 : memref<128x64xf32, #tpu.memory_space<vmem>>) offsets(%dma_start3A_232 : memref<128xi32, #tpu.memory_space<vmem>>) semaphore(%arg11 : memref<!tpu.dma_semaphore, #tpu.memory_space<semaphore_mem>>)
        %dma_wait3A_236 = arith.constant 0 : i32
        %dma_wait3A_237 = arith.constant 0 : i32
        %dma_wait3A_238 = tpu.memref_slice %arg5[%dma_wait3A_236, %dma_wait3A_237] : memref<100x512xi32, #tpu.memory_space<vmem>> -> memref<1x128xi32, #tpu.memory_space<vmem>>
        %dma_wait3A_239 = tpu.memref_squeeze %dma_wait3A_238 : memref<1x128xi32, #tpu.memory_space<vmem>> -> memref<128xi32, #tpu.memory_space<vmem>>
        %dma_wait3A_240 = arith.constant 0 : i32
        %dma_wait3A_241 = arith.constant 0 : i32
        %dma_wait3A_242 = tpu.memref_slice %arg3[%dma_wait3A_240, %dma_wait3A_241] : memref<100000x64xf32, #tpu.memory_space<hbm>> -> memref<100000x64xf32, #tpu.memory_space<hbm>>
        tpu.wait_indirect_dma semaphore(%arg10 : memref<!tpu.dma_semaphore, #tpu.memory_space<semaphore_mem>>) src(%dma_wait3A_242 : memref<100000x64xf32, #tpu.memory_space<hbm>>) dst(%arg6 : memref<128x64xf32, #tpu.memory_space<vmem>>)
        %dma_wait3A_243 = arith.constant 0 : i32
        %dma_wait3A_244 = arith.constant 0 : i32
        %dma_wait3A_245 = arith.constant 0 : i32
        %dma_wait3A_246 = arith.constant 0 : i32
        %dma_wait3A_247 = arith.constant 0 : i32
        %dma_wait3A_248 = tpu.memref_slice %arg8[%dma_wait3A_245, %dma_wait3A_246, %dma_wait3A_247] : memref<8x8x129xf32, #tpu.memory_space<vmem>> -> memref<8x8x128xf32, #tpu.memory_space<vmem>>
        %dma_wait3A_249 = arith.constant 0 : i32
        %dma_wait3A_250 = arith.constant 0 : i32
        %dma_wait3A_251 = arith.constant 0 : i32
        %dma_wait3A_252 = tpu.memref_slice %arg4[%dma_wait3A_243, %dma_wait3A_249, %dma_wait3A_244, %dma_wait3A_250, %dma_wait3A_251] : memref<200x8x128x8x128xf32, #tpu.memory_space<hbm>> -> memref<1x8x1x8x128xf32, #tpu.memory_space<hbm>>
        %dma_wait3A_253 = tpu.memref_squeeze %dma_wait3A_252 : memref<1x8x1x8x128xf32, #tpu.memory_space<hbm>> -> memref<8x8x128xf32, #tpu.memory_space<hbm>>
        %dma_wait3A_254 = arith.constant 0 : i32
        %dma_wait3A_255 = arith.constant 0 : i32
        %dma_wait3A_256 = arith.constant 0 : i32
        %dma_wait3A_257 = tpu.memref_slice %arg4[%dma_wait3A_243, %dma_wait3A_254, %dma_wait3A_244, %dma_wait3A_255, %dma_wait3A_256] : memref<200x8x128x8x128xf32, #tpu.memory_space<hbm>> -> memref<1x8x1x8x128xf32, #tpu.memory_space<hbm>>
        %dma_wait3A_258 = tpu.memref_squeeze %dma_wait3A_257 : memref<1x8x1x8x128xf32, #tpu.memory_space<hbm>> -> memref<8x8x128xf32, #tpu.memory_space<hbm>>
        %dma_wait3A_259 = arith.constant 0 : i32
        %dma_wait3A_260 = arith.constant 0 : i32
        %dma_wait3A_261 = arith.constant 0 : i32
        %dma_wait3A_262 = tpu.memref_slice %arg8[%dma_wait3A_259, %dma_wait3A_260, %dma_wait3A_261] : memref<8x8x129xf32, #tpu.memory_space<vmem>> -> memref<8x8x128xf32, #tpu.memory_space<vmem>>
        tpu.wait_dma2 semaphore(%arg12 : memref<!tpu.dma_semaphore, #tpu.memory_space<semaphore_mem>>) src(%dma_wait3A_262 : memref<8x8x128xf32, #tpu.memory_space<vmem>>) dst(%dma_wait3A_258 : memref<8x8x128xf32, #tpu.memory_space<hbm>>)
        %scan3A_263 = arith.constant 0 : i32
        %scan3A_264 = arith.constant 0 : i32
        %scan3A_265 = arith.constant 16 : i32
        %scan3A_266 = arith.addi %scan3A_264, %scan3A_265 : i32
        %scan3A_267 = arith.constant 1 : i32
        scf.for %scan3A_354 = %scan3A_264 to %scan3A_266 step %scan3A_267  : i32 {
          %mul3A_355 = arith.constant 8 : i32
          %mul3A_356 = arith.muli %scan3A_354, %mul3A_355 : i32
          %broadcast_in_dim3A = vector.broadcast %mul3A_356 : i32 to vector<16xi32>
          %mul3A_357 = arith.constant 8 : i32
          %mul3A_358 = arith.muli %mul3A_357, %scan3A_354 : i32
          %add3A_359 = arith.constant 0 : i32
          %add3A_360 = arith.addi %mul3A_358, %add3A_359 : i32
          %add3A_361 = arith.constant 0 : i32
          %add3A_362 = vector.broadcast %add3A_361 : i32 to vector<16xi32>
          %add3A_363 = arith.addi %broadcast_in_dim3A, %add3A_362 : vector<16xi32>
          %get3A = arith.index_cast %add3A_360 : i32 to index
          %get3A_364 = arith.constant 0 : index
          %get3A_365 = tpu.vector_load %arg6[%get3A, %get3A_364] {strides = array<i32>} : memref<128x64xf32, #tpu.memory_space<vmem>>, vector<16xf32>,
          %get3A_366 = arith.index_cast %add3A_360 : i32 to index
          %get3A_367 = arith.constant 16 : index
          %get3A_368 = tpu.vector_load %arg6[%get3A_366, %get3A_367] {strides = array<i32>} : memref<128x64xf32, #tpu.memory_space<vmem>>, vector<16xf32>,
          %get3A_369 = arith.index_cast %add3A_360 : i32 to index
          %get3A_370 = arith.constant 32 : index
          %get3A_371 = tpu.vector_load %arg6[%get3A_369, %get3A_370] {strides = array<i32>} : memref<128x64xf32, #tpu.memory_space<vmem>>, vector<16xf32>,
          %get3A_372 = arith.index_cast %add3A_360 : i32 to index
          %get3A_373 = arith.constant 48 : index
          %get3A_374 = tpu.vector_load %arg6[%get3A_372, %get3A_373] {strides = array<i32>} : memref<128x64xf32, #tpu.memory_space<vmem>>, vector<16xf32>,
          tpu.vector_store_idx %arg8[%shift_right_logical3A_7, %and3A_30, %add3A_363], %get3A_365 : memref<8x8x129xf32, #tpu.memory_space<vmem>>[vector<16xi32>, vector<16xi32>, vector<16xi32>], vector<16xf32>,
          tpu.vector_store_idx %arg8[%shift_right_logical3A_13, %and3A_36, %add3A_363], %get3A_368 : memref<8x8x129xf32, #tpu.memory_space<vmem>>[vector<16xi32>, vector<16xi32>, vector<16xi32>], vector<16xf32>,
          tpu.vector_store_idx %arg8[%shift_right_logical3A_19, %and3A_42, %add3A_363], %get3A_371 : memref<8x8x129xf32, #tpu.memory_space<vmem>>[vector<16xi32>, vector<16xi32>, vector<16xi32>], vector<16xf32>,
          tpu.vector_store_idx %arg8[%shift_right_logical3A_25, %and3A_48, %add3A_363], %get3A_374 : memref<8x8x129xf32, #tpu.memory_space<vmem>>[vector<16xi32>, vector<16xi32>, vector<16xi32>], vector<16xf32>,
          %mul3A_375 = arith.constant 8 : i32
          %mul3A_376 = arith.muli %mul3A_375, %scan3A_354 : i32
          %add3A_377 = arith.constant 1 : i32
          %add3A_378 = arith.addi %mul3A_376, %add3A_377 : i32
          %add3A_379 = arith.constant 1 : i32
          %add3A_380 = vector.broadcast %add3A_379 : i32 to vector<16xi32>
          %add3A_381 = arith.addi %broadcast_in_dim3A, %add3A_380 : vector<16xi32>
          %get3A_382 = arith.index_cast %add3A_378 : i32 to index
          %get3A_383 = arith.constant 0 : index
          %get3A_384 = tpu.vector_load %arg6[%get3A_382, %get3A_383] {strides = array<i32>} : memref<128x64xf32, #tpu.memory_space<vmem>>, vector<16xf32>,
          %get3A_385 = arith.index_cast %add3A_378 : i32 to index
          %get3A_386 = arith.constant 16 : index
          %get3A_387 = tpu.vector_load %arg6[%get3A_385, %get3A_386] {strides = array<i32>} : memref<128x64xf32, #tpu.memory_space<vmem>>, vector<16xf32>,
          %get3A_388 = arith.index_cast %add3A_378 : i32 to index
          %get3A_389 = arith.constant 32 : index
          %get3A_390 = tpu.vector_load %arg6[%get3A_388, %get3A_389] {strides = array<i32>} : memref<128x64xf32, #tpu.memory_space<vmem>>, vector<16xf32>,
          %get3A_391 = arith.index_cast %add3A_378 : i32 to index
          %get3A_392 = arith.constant 48 : index
          %get3A_393 = tpu.vector_load %arg6[%get3A_391, %get3A_392] {strides = array<i32>} : memref<128x64xf32, #tpu.memory_space<vmem>>, vector<16xf32>,
          tpu.vector_store_idx %arg8[%shift_right_logical3A_7, %and3A_30, %add3A_381], %get3A_384 : memref<8x8x129xf32, #tpu.memory_space<vmem>>[vector<16xi32>, vector<16xi32>, vector<16xi32>], vector<16xf32>,
          tpu.vector_store_idx %arg8[%shift_right_logical3A_13, %and3A_36, %add3A_381], %get3A_387 : memref<8x8x129xf32, #tpu.memory_space<vmem>>[vector<16xi32>, vector<16xi32>, vector<16xi32>], vector<16xf32>,
          tpu.vector_store_idx %arg8[%shift_right_logical3A_19, %and3A_42, %add3A_381], %get3A_390 : memref<8x8x129xf32, #tpu.memory_space<vmem>>[vector<16xi32>, vector<16xi32>, vector<16xi32>], vector<16xf32>,
          tpu.vector_store_idx %arg8[%shift_right_logical3A_25, %and3A_48, %add3A_381], %get3A_393 : memref<8x8x129xf32, #tpu.memory_space<vmem>>[vector<16xi32>, vector<16xi32>, vector<16xi32>], vector<16xf32>,
          %mul3A_394 = arith.constant 8 : i32
          %mul3A_395 = arith.muli %mul3A_394, %scan3A_354 : i32
          %add3A_396 = arith.constant 2 : i32
          %add3A_397 = arith.addi %mul3A_395, %add3A_396 : i32
          %add3A_398 = arith.constant 2 : i32
          %add3A_399 = vector.broadcast %add3A_398 : i32 to vector<16xi32>
          %add3A_400 = arith.addi %broadcast_in_dim3A, %add3A_399 : vector<16xi32>
          %get3A_401 = arith.index_cast %add3A_397 : i32 to index
          %get3A_402 = arith.constant 0 : index
          %get3A_403 = tpu.vector_load %arg6[%get3A_401, %get3A_402] {strides = array<i32>} : memref<128x64xf32, #tpu.memory_space<vmem>>, vector<16xf32>,
          %get3A_404 = arith.index_cast %add3A_397 : i32 to index
          %get3A_405 = arith.constant 16 : index
          %get3A_406 = tpu.vector_load %arg6[%get3A_404, %get3A_405] {strides = array<i32>} : memref<128x64xf32, #tpu.memory_space<vmem>>, vector<16xf32>,
          %get3A_407 = arith.index_cast %add3A_397 : i32 to index
          %get3A_408 = arith.constant 32 : index
          %get3A_409 = tpu.vector_load %arg6[%get3A_407, %get3A_408] {strides = array<i32>} : memref<128x64xf32, #tpu.memory_space<vmem>>, vector<16xf32>,
          %get3A_410 = arith.index_cast %add3A_397 : i32 to index
          %get3A_411 = arith.constant 48 : index
          %get3A_412 = tpu.vector_load %arg6[%get3A_410, %get3A_411] {strides = array<i32>} : memref<128x64xf32, #tpu.memory_space<vmem>>, vector<16xf32>,
          tpu.vector_store_idx %arg8[%shift_right_logical3A_7, %and3A_30, %add3A_400], %get3A_403 : memref<8x8x129xf32, #tpu.memory_space<vmem>>[vector<16xi32>, vector<16xi32>, vector<16xi32>], vector<16xf32>,
          tpu.vector_store_idx %arg8[%shift_right_logical3A_13, %and3A_36, %add3A_400], %get3A_406 : memref<8x8x129xf32, #tpu.memory_space<vmem>>[vector<16xi32>, vector<16xi32>, vector<16xi32>], vector<16xf32>,
          tpu.vector_store_idx %arg8[%shift_right_logical3A_19, %and3A_42, %add3A_400], %get3A_409 : memref<8x8x129xf32, #tpu.memory_space<vmem>>[vector<16xi32>, vector<16xi32>, vector<16xi32>], vector<16xf32>,
          tpu.vector_store_idx %arg8[%shift_right_logical3A_25, %and3A_48, %add3A_400], %get3A_412 : memref<8x8x129xf32, #tpu.memory_space<vmem>>[vector<16xi32>, vector<16xi32>, vector<16xi32>], vector<16xf32>,
          %mul3A_413 = arith.constant 8 : i32
          %mul3A_414 = arith.muli %mul3A_413, %scan3A_354 : i32
          %add3A_415 = arith.constant 3 : i32
          %add3A_416 = arith.addi %mul3A_414, %add3A_415 : i32
          %add3A_417 = arith.constant 3 : i32
          %add3A_418 = vector.broadcast %add3A_417 : i32 to vector<16xi32>
          %add3A_419 = arith.addi %broadcast_in_dim3A, %add3A_418 : vector<16xi32>
          %get3A_420 = arith.index_cast %add3A_416 : i32 to index
          %get3A_421 = arith.constant 0 : index
          %get3A_422 = tpu.vector_load %arg6[%get3A_420, %get3A_421] {strides = array<i32>} : memref<128x64xf32, #tpu.memory_space<vmem>>, vector<16xf32>,
          %get3A_423 = arith.index_cast %add3A_416 : i32 to index
          %get3A_424 = arith.constant 16 : index
          %get3A_425 = tpu.vector_load %arg6[%get3A_423, %get3A_424] {strides = array<i32>} : memref<128x64xf32, #tpu.memory_space<vmem>>, vector<16xf32>,
          %get3A_426 = arith.index_cast %add3A_416 : i32 to index
          %get3A_427 = arith.constant 32 : index
          %get3A_428 = tpu.vector_load %arg6[%get3A_426, %get3A_427] {strides = array<i32>} : memref<128x64xf32, #tpu.memory_space<vmem>>, vector<16xf32>,
          %get3A_429 = arith.index_cast %add3A_416 : i32 to index
          %get3A_430 = arith.constant 48 : index
          %get3A_431 = tpu.vector_load %arg6[%get3A_429, %get3A_430] {strides = array<i32>} : memref<128x64xf32, #tpu.memory_space<vmem>>, vector<16xf32>,
          tpu.vector_store_idx %arg8[%shift_right_logical3A_7, %and3A_30, %add3A_419], %get3A_422 : memref<8x8x129xf32, #tpu.memory_space<vmem>>[vector<16xi32>, vector<16xi32>, vector<16xi32>], vector<16xf32>,
          tpu.vector_store_idx %arg8[%shift_right_logical3A_13, %and3A_36, %add3A_419], %get3A_425 : memref<8x8x129xf32, #tpu.memory_space<vmem>>[vector<16xi32>, vector<16xi32>, vector<16xi32>], vector<16xf32>,
          tpu.vector_store_idx %arg8[%shift_right_logical3A_19, %and3A_42, %add3A_419], %get3A_428 : memref<8x8x129xf32, #tpu.memory_space<vmem>>[vector<16xi32>, vector<16xi32>, vector<16xi32>], vector<16xf32>,
          tpu.vector_store_idx %arg8[%shift_right_logical3A_25, %and3A_48, %add3A_419], %get3A_431 : memref<8x8x129xf32, #tpu.memory_space<vmem>>[vector<16xi32>, vector<16xi32>, vector<16xi32>], vector<16xf32>,
          %mul3A_432 = arith.constant 8 : i32
          %mul3A_433 = arith.muli %mul3A_432, %scan3A_354 : i32
          %add3A_434 = arith.constant 4 : i32
          %add3A_435 = arith.addi %mul3A_433, %add3A_434 : i32
          %add3A_436 = arith.constant 4 : i32
          %add3A_437 = vector.broadcast %add3A_436 : i32 to vector<16xi32>
          %add3A_438 = arith.addi %broadcast_in_dim3A, %add3A_437 : vector<16xi32>
          %get3A_439 = arith.index_cast %add3A_435 : i32 to index
          %get3A_440 = arith.constant 0 : index
          %get3A_441 = tpu.vector_load %arg6[%get3A_439, %get3A_440] {strides = array<i32>} : memref<128x64xf32, #tpu.memory_space<vmem>>, vector<16xf32>,
          %get3A_442 = arith.index_cast %add3A_435 : i32 to index
          %get3A_443 = arith.constant 16 : index
          %get3A_444 = tpu.vector_load %arg6[%get3A_442, %get3A_443] {strides = array<i32>} : memref<128x64xf32, #tpu.memory_space<vmem>>, vector<16xf32>,
          %get3A_445 = arith.index_cast %add3A_435 : i32 to index
          %get3A_446 = arith.constant 32 : index
          %get3A_447 = tpu.vector_load %arg6[%get3A_445, %get3A_446] {strides = array<i32>} : memref<128x64xf32, #tpu.memory_space<vmem>>, vector<16xf32>,
          %get3A_448 = arith.index_cast %add3A_435 : i32 to index
          %get3A_449 = arith.constant 48 : index
          %get3A_450 = tpu.vector_load %arg6[%get3A_448, %get3A_449] {strides = array<i32>} : memref<128x64xf32, #tpu.memory_space<vmem>>, vector<16xf32>,
          tpu.vector_store_idx %arg8[%shift_right_logical3A_7, %and3A_30, %add3A_438], %get3A_441 : memref<8x8x129xf32, #tpu.memory_space<vmem>>[vector<16xi32>, vector<16xi32>, vector<16xi32>], vector<16xf32>,
          tpu.vector_store_idx %arg8[%shift_right_logical3A_13, %and3A_36, %add3A_438], %get3A_444 : memref<8x8x129xf32, #tpu.memory_space<vmem>>[vector<16xi32>, vector<16xi32>, vector<16xi32>], vector<16xf32>,
          tpu.vector_store_idx %arg8[%shift_right_logical3A_19, %and3A_42, %add3A_438], %get3A_447 : memref<8x8x129xf32, #tpu.memory_space<vmem>>[vector<16xi32>, vector<16xi32>, vector<16xi32>], vector<16xf32>,
          tpu.vector_store_idx %arg8[%shift_right_logical3A_25, %and3A_48, %add3A_438], %get3A_450 : memref<8x8x129xf32, #tpu.memory_space<vmem>>[vector<16xi32>, vector<16xi32>, vector<16xi32>], vector<16xf32>,
          %mul3A_451 = arith.constant 8 : i32
          %mul3A_452 = arith.muli %mul3A_451, %scan3A_354 : i32
          %add3A_453 = arith.constant 5 : i32
          %add3A_454 = arith.addi %mul3A_452, %add3A_453 : i32
          %add3A_455 = arith.constant 5 : i32
          %add3A_456 = vector.broadcast %add3A_455 : i32 to vector<16xi32>
          %add3A_457 = arith.addi %broadcast_in_dim3A, %add3A_456 : vector<16xi32>
          %get3A_458 = arith.index_cast %add3A_454 : i32 to index
          %get3A_459 = arith.constant 0 : index
          %get3A_460 = tpu.vector_load %arg6[%get3A_458, %get3A_459] {strides = array<i32>} : memref<128x64xf32, #tpu.memory_space<vmem>>, vector<16xf32>,
          %get3A_461 = arith.index_cast %add3A_454 : i32 to index
          %get3A_462 = arith.constant 16 : index
          %get3A_463 = tpu.vector_load %arg6[%get3A_461, %get3A_462] {strides = array<i32>} : memref<128x64xf32, #tpu.memory_space<vmem>>, vector<16xf32>,
          %get3A_464 = arith.index_cast %add3A_454 : i32 to index
          %get3A_465 = arith.constant 32 : index
          %get3A_466 = tpu.vector_load %arg6[%get3A_464, %get3A_465] {strides = array<i32>} : memref<128x64xf32, #tpu.memory_space<vmem>>, vector<16xf32>,
          %get3A_467 = arith.index_cast %add3A_454 : i32 to index
          %get3A_468 = arith.constant 48 : index
          %get3A_469 = tpu.vector_load %arg6[%get3A_467, %get3A_468] {strides = array<i32>} : memref<128x64xf32, #tpu.memory_space<vmem>>, vector<16xf32>,
          tpu.vector_store_idx %arg8[%shift_right_logical3A_7, %and3A_30, %add3A_457], %get3A_460 : memref<8x8x129xf32, #tpu.memory_space<vmem>>[vector<16xi32>, vector<16xi32>, vector<16xi32>], vector<16xf32>,
          tpu.vector_store_idx %arg8[%shift_right_logical3A_13, %and3A_36, %add3A_457], %get3A_463 : memref<8x8x129xf32, #tpu.memory_space<vmem>>[vector<16xi32>, vector<16xi32>, vector<16xi32>], vector<16xf32>,
          tpu.vector_store_idx %arg8[%shift_right_logical3A_19, %and3A_42, %add3A_457], %get3A_466 : memref<8x8x129xf32, #tpu.memory_space<vmem>>[vector<16xi32>, vector<16xi32>, vector<16xi32>], vector<16xf32>,
          tpu.vector_store_idx %arg8[%shift_right_logical3A_25, %and3A_48, %add3A_457], %get3A_469 : memref<8x8x129xf32, #tpu.memory_space<vmem>>[vector<16xi32>, vector<16xi32>, vector<16xi32>], vector<16xf32>,
          %mul3A_470 = arith.constant 8 : i32
          %mul3A_471 = arith.muli %mul3A_470, %scan3A_354 : i32
          %add3A_472 = arith.constant 6 : i32
          %add3A_473 = arith.addi %mul3A_471, %add3A_472 : i32
          %add3A_474 = arith.constant 6 : i32
          %add3A_475 = vector.broadcast %add3A_474 : i32 to vector<16xi32>
          %add3A_476 = arith.addi %broadcast_in_dim3A, %add3A_475 : vector<16xi32>
          %get3A_477 = arith.index_cast %add3A_473 : i32 to index
          %get3A_478 = arith.constant 0 : index
          %get3A_479 = tpu.vector_load %arg6[%get3A_477, %get3A_478] {strides = array<i32>} : memref<128x64xf32, #tpu.memory_space<vmem>>, vector<16xf32>,
          %get3A_480 = arith.index_cast %add3A_473 : i32 to index
          %get3A_481 = arith.constant 16 : index
          %get3A_482 = tpu.vector_load %arg6[%get3A_480, %get3A_481] {strides = array<i32>} : memref<128x64xf32, #tpu.memory_space<vmem>>, vector<16xf32>,
          %get3A_483 = arith.index_cast %add3A_473 : i32 to index
          %get3A_484 = arith.constant 32 : index
          %get3A_485 = tpu.vector_load %arg6[%get3A_483, %get3A_484] {strides = array<i32>} : memref<128x64xf32, #tpu.memory_space<vmem>>, vector<16xf32>,
          %get3A_486 = arith.index_cast %add3A_473 : i32 to index
          %get3A_487 = arith.constant 48 : index
          %get3A_488 = tpu.vector_load %arg6[%get3A_486, %get3A_487] {strides = array<i32>} : memref<128x64xf32, #tpu.memory_space<vmem>>, vector<16xf32>,
          tpu.vector_store_idx %arg8[%shift_right_logical3A_7, %and3A_30, %add3A_476], %get3A_479 : memref<8x8x129xf32, #tpu.memory_space<vmem>>[vector<16xi32>, vector<16xi32>, vector<16xi32>], vector<16xf32>,
          tpu.vector_store_idx %arg8[%shift_right_logical3A_13, %and3A_36, %add3A_476], %get3A_482 : memref<8x8x129xf32, #tpu.memory_space<vmem>>[vector<16xi32>, vector<16xi32>, vector<16xi32>], vector<16xf32>,
          tpu.vector_store_idx %arg8[%shift_right_logical3A_19, %and3A_42, %add3A_476], %get3A_485 : memref<8x8x129xf32, #tpu.memory_space<vmem>>[vector<16xi32>, vector<16xi32>, vector<16xi32>], vector<16xf32>,
          tpu.vector_store_idx %arg8[%shift_right_logical3A_25, %and3A_48, %add3A_476], %get3A_488 : memref<8x8x129xf32, #tpu.memory_space<vmem>>[vector<16xi32>, vector<16xi32>, vector<16xi32>], vector<16xf32>,
          %mul3A_489 = arith.constant 8 : i32
          %mul3A_490 = arith.muli %mul3A_489, %scan3A_354 : i32
          %add3A_491 = arith.constant 7 : i32
          %add3A_492 = arith.addi %mul3A_490, %add3A_491 : i32
          %add3A_493 = arith.constant 7 : i32
          %add3A_494 = vector.broadcast %add3A_493 : i32 to vector<16xi32>
          %add3A_495 = arith.addi %broadcast_in_dim3A, %add3A_494 : vector<16xi32>
          %get3A_496 = arith.index_cast %add3A_492 : i32 to index
          %get3A_497 = arith.constant 0 : index
          %get3A_498 = tpu.vector_load %arg6[%get3A_496, %get3A_497] {strides = array<i32>} : memref<128x64xf32, #tpu.memory_space<vmem>>, vector<16xf32>,
          %get3A_499 = arith.index_cast %add3A_492 : i32 to index
          %get3A_500 = arith.constant 16 : index
          %get3A_501 = tpu.vector_load %arg6[%get3A_499, %get3A_500] {strides = array<i32>} : memref<128x64xf32, #tpu.memory_space<vmem>>, vector<16xf32>,
          %get3A_502 = arith.index_cast %add3A_492 : i32 to index
          %get3A_503 = arith.constant 32 : index
          %get3A_504 = tpu.vector_load %arg6[%get3A_502, %get3A_503] {strides = array<i32>} : memref<128x64xf32, #tpu.memory_space<vmem>>, vector<16xf32>,
          %get3A_505 = arith.index_cast %add3A_492 : i32 to index
          %get3A_506 = arith.constant 48 : index
          %get3A_507 = tpu.vector_load %arg6[%get3A_505, %get3A_506] {strides = array<i32>} : memref<128x64xf32, #tpu.memory_space<vmem>>, vector<16xf32>,
          tpu.vector_store_idx %arg8[%shift_right_logical3A_7, %and3A_30, %add3A_495], %get3A_498 : memref<8x8x129xf32, #tpu.memory_space<vmem>>[vector<16xi32>, vector<16xi32>, vector<16xi32>], vector<16xf32>,
          tpu.vector_store_idx %arg8[%shift_right_logical3A_13, %and3A_36, %add3A_495], %get3A_501 : memref<8x8x129xf32, #tpu.memory_space<vmem>>[vector<16xi32>, vector<16xi32>, vector<16xi32>], vector<16xf32>,
          tpu.vector_store_idx %arg8[%shift_right_logical3A_19, %and3A_42, %add3A_495], %get3A_504 : memref<8x8x129xf32, #tpu.memory_space<vmem>>[vector<16xi32>, vector<16xi32>, vector<16xi32>], vector<16xf32>,
          tpu.vector_store_idx %arg8[%shift_right_logical3A_25, %and3A_48, %add3A_495], %get3A_507 : memref<8x8x129xf32, #tpu.memory_space<vmem>>[vector<16xi32>, vector<16xi32>, vector<16xi32>], vector<16xf32>,
        }
        %scan3A_268 = arith.constant 16 : i32
        %shift_right_logical3A_269 = arith.constant 2 : i32
        %shift_right_logical3A_270 = arith.shrui %mul3A_222, %shift_right_logical3A_269 : i32
        %and3A_271 = arith.constant 3 : i32
        %and3A_272 = arith.andi %mul3A_222, %and3A_271 : i32
        %add3A_273 = arith.addi %mul3A_56, %shift_right_logical3A_270 : i32
        %add3A_274 = arith.addi %mul3A_2, %and3A_272 : i32
        %dma_start3A_275 = arith.constant 0 : i32
        %dma_start3A_276 = arith.constant 0 : i32
        %dma_start3A_277 = arith.constant 0 : i32
        %dma_start3A_278 = tpu.memref_slice %arg8[%dma_start3A_275, %dma_start3A_276, %dma_start3A_277] : memref<8x8x129xf32, #tpu.memory_space<vmem>> -> memref<8x8x128xf32, #tpu.memory_space<vmem>>
        %dma_start3A_279 = arith.constant 0 : i32
        %dma_start3A_280 = arith.constant 0 : i32
        %dma_start3A_281 = arith.constant 0 : i32
        %dma_start3A_282 = tpu.memref_slice %arg4[%add3A_273, %dma_start3A_279, %add3A_274, %dma_start3A_280, %dma_start3A_281] : memref<200x8x128x8x128xf32, #tpu.memory_space<hbm>> -> memref<1x8x1x8x128xf32, #tpu.memory_space<hbm>>
        %dma_start3A_283 = tpu.memref_squeeze %dma_start3A_282 : memref<1x8x1x8x128xf32, #tpu.memory_space<hbm>> -> memref<8x8x128xf32, #tpu.memory_space<hbm>>
        %dma_start3A_284 = arith.constant 0 : i32
        %dma_start3A_285 = arith.constant 0 : i32
        %dma_start3A_286 = arith.constant 0 : i32
        %dma_start3A_287 = tpu.memref_slice %arg4[%add3A_273, %dma_start3A_284, %add3A_274, %dma_start3A_285, %dma_start3A_286] : memref<200x8x128x8x128xf32, #tpu.memory_space<hbm>> -> memref<1x8x1x8x128xf32, #tpu.memory_space<hbm>>
        %dma_start3A_288 = tpu.memref_squeeze %dma_start3A_287 : memref<1x8x1x8x128xf32, #tpu.memory_space<hbm>> -> memref<8x8x128xf32, #tpu.memory_space<hbm>>
        %dma_start3A_289 = arith.constant 0 : i32
        %dma_start3A_290 = arith.constant 0 : i32
        %dma_start3A_291 = arith.constant 0 : i32
        %dma_start3A_292 = tpu.memref_slice %arg8[%dma_start3A_289, %dma_start3A_290, %dma_start3A_291] : memref<8x8x129xf32, #tpu.memory_space<vmem>> -> memref<8x8x128xf32, #tpu.memory_space<vmem>>
        tpu.enqueue_dma source(%dma_start3A_292 : memref<8x8x128xf32, #tpu.memory_space<vmem>>) target(%dma_start3A_288 : memref<8x8x128xf32, #tpu.memory_space<hbm>>) target_semaphore(%arg12 : memref<!tpu.dma_semaphore, #tpu.memory_space<semaphore_mem>>)
        %lt3A = arith.constant 199 : i32
        %lt3A_293 = arith.cmpi slt, %scan3A_220, %lt3A : i32
        %convert_element_type3A = arith.extui %lt3A_293 : i1 to i32
        %cond3A = arith.constant 0 : i32
        %cond3A_294 = arith.cmpi ne, %convert_element_type3A, %cond3A : i32
        scf.if %cond3A_294 {
          %add3A_354 = arith.constant 2 : i32
          %add3A_355 = arith.addi %mul3A_222, %add3A_354 : i32
          %shift_right_logical3A_356 = arith.constant 2 : i32
          %shift_right_logical3A_357 = arith.shrui %add3A_355, %shift_right_logical3A_356 : i32
          %and3A_358 = arith.constant 3 : i32
          %and3A_359 = arith.andi %add3A_355, %and3A_358 : i32
          %mul3A_360 = arith.constant 128 : i32
          %mul3A_361 = arith.muli %and3A_359, %mul3A_360 : i32
          %dma_start3A_362 = tpu.memref_slice %arg5[%shift_right_logical3A_357, %mul3A_361] : memref<100x512xi32, #tpu.memory_space<vmem>> -> memref<1x128xi32, #tpu.memory_space<vmem>>
          %dma_start3A_363 = tpu.memref_squeeze %dma_start3A_362 : memref<1x128xi32, #tpu.memory_space<vmem>> -> memref<128xi32, #tpu.memory_space<vmem>>
          %dma_start3A_364 = arith.constant 0 : i32
          %dma_start3A_365 = arith.constant 0 : i32
          %dma_start3A_366 = tpu.memref_slice %arg3[%dma_start3A_364, %dma_start3A_365] : memref<100000x64xf32, #tpu.memory_space<hbm>> -> memref<100000x64xf32, #tpu.memory_space<hbm>>
          tpu.enqueue_indirect_dma source(%dma_start3A_366 : memref<100000x64xf32, #tpu.memory_space<hbm>>) target(%arg6 : memref<128x64xf32, #tpu.memory_space<vmem>>) offsets(%dma_start3A_363 : memref<128xi32, #tpu.memory_space<vmem>>) semaphore(%arg10 : memref<!tpu.dma_semaphore, #tpu.memory_space<semaphore_mem>>)
        } else {
        }
        %dma_wait3A_295 = arith.constant 0 : i32
        %dma_wait3A_296 = arith.constant 0 : i32
        %dma_wait3A_297 = tpu.memref_slice %arg5[%dma_wait3A_295, %dma_wait3A_296] : memref<100x512xi32, #tpu.memory_space<vmem>> -> memref<1x128xi32, #tpu.memory_space<vmem>>
        %dma_wait3A_298 = tpu.memref_squeeze %dma_wait3A_297 : memref<1x128xi32, #tpu.memory_space<vmem>> -> memref<128xi32, #tpu.memory_space<vmem>>
        %dma_wait3A_299 = arith.constant 0 : i32
        %dma_wait3A_300 = arith.constant 0 : i32
        %dma_wait3A_301 = tpu.memref_slice %arg3[%dma_wait3A_299, %dma_wait3A_300] : memref<100000x64xf32, #tpu.memory_space<hbm>> -> memref<100000x64xf32, #tpu.memory_space<hbm>>
        tpu.wait_indirect_dma semaphore(%arg11 : memref<!tpu.dma_semaphore, #tpu.memory_space<semaphore_mem>>) src(%dma_wait3A_301 : memref<100000x64xf32, #tpu.memory_space<hbm>>) dst(%arg7 : memref<128x64xf32, #tpu.memory_space<vmem>>)
        %dma_wait3A_302 = arith.constant 0 : i32
        %dma_wait3A_303 = arith.constant 0 : i32
        %dma_wait3A_304 = arith.constant 0 : i32
        %dma_wait3A_305 = arith.constant 0 : i32
        %dma_wait3A_306 = arith.constant 0 : i32
        %dma_wait3A_307 = tpu.memref_slice %arg9[%dma_wait3A_304, %dma_wait3A_305, %dma_wait3A_306] : memref<8x8x129xf32, #tpu.memory_space<vmem>> -> memref<8x8x128xf32, #tpu.memory_space<vmem>>
        %dma_wait3A_308 = arith.constant 0 : i32
        %dma_wait3A_309 = arith.constant 0 : i32
        %dma_wait3A_310 = arith.constant 0 : i32
        %dma_wait3A_311 = tpu.memref_slice %arg4[%dma_wait3A_302, %dma_wait3A_308, %dma_wait3A_303, %dma_wait3A_309, %dma_wait3A_310] : memref<200x8x128x8x128xf32, #tpu.memory_space<hbm>> -> memref<1x8x1x8x128xf32, #tpu.memory_space<hbm>>
        %dma_wait3A_312 = tpu.memref_squeeze %dma_wait3A_311 : memref<1x8x1x8x128xf32, #tpu.memory_space<hbm>> -> memref<8x8x128xf32, #tpu.memory_space<hbm>>
        %dma_wait3A_313 = arith.constant 0 : i32
        %dma_wait3A_314 = arith.constant 0 : i32
        %dma_wait3A_315 = arith.constant 0 : i32
        %dma_wait3A_316 = tpu.memref_slice %arg4[%dma_wait3A_302, %dma_wait3A_313, %dma_wait3A_303, %dma_wait3A_314, %dma_wait3A_315] : memref<200x8x128x8x128xf32, #tpu.memory_space<hbm>> -> memref<1x8x1x8x128xf32, #tpu.memory_space<hbm>>
        %dma_wait3A_317 = tpu.memref_squeeze %dma_wait3A_316 : memref<1x8x1x8x128xf32, #tpu.memory_space<hbm>> -> memref<8x8x128xf32, #tpu.memory_space<hbm>>
        %dma_wait3A_318 = arith.constant 0 : i32
        %dma_wait3A_319 = arith.constant 0 : i32
        %dma_wait3A_320 = arith.constant 0 : i32
        %dma_wait3A_321 = tpu.memref_slice %arg9[%dma_wait3A_318, %dma_wait3A_319, %dma_wait3A_320] : memref<8x8x129xf32, #tpu.memory_space<vmem>> -> memref<8x8x128xf32, #tpu.memory_space<vmem>>
        tpu.wait_dma2 semaphore(%arg13 : memref<!tpu.dma_semaphore, #tpu.memory_space<semaphore_mem>>) src(%dma_wait3A_321 : memref<8x8x128xf32, #tpu.memory_space<vmem>>) dst(%dma_wait3A_317 : memref<8x8x128xf32, #tpu.memory_space<hbm>>)
        %scan3A_322 = arith.constant 0 : i32
        %scan3A_323 = arith.constant 0 : i32
        %scan3A_324 = arith.constant 16 : i32
        %scan3A_325 = arith.addi %scan3A_323, %scan3A_324 : i32
        %scan3A_326 = arith.constant 1 : i32
        scf.for %scan3A_354 = %scan3A_323 to %scan3A_325 step %scan3A_326  : i32 {
          %mul3A_355 = arith.constant 8 : i32
          %mul3A_356 = arith.muli %scan3A_354, %mul3A_355 : i32
          %broadcast_in_dim3A = vector.broadcast %mul3A_356 : i32 to vector<16xi32>
          %mul3A_357 = arith.constant 8 : i32
          %mul3A_358 = arith.muli %mul3A_357, %scan3A_354 : i32
          %add3A_359 = arith.constant 0 : i32
          %add3A_360 = arith.addi %mul3A_358, %add3A_359 : i32
          %add3A_361 = arith.constant 0 : i32
          %add3A_362 = vector.broadcast %add3A_361 : i32 to vector<16xi32>
          %add3A_363 = arith.addi %broadcast_in_dim3A, %add3A_362 : vector<16xi32>
          %get3A = arith.index_cast %add3A_360 : i32 to index
          %get3A_364 = arith.constant 0 : index
          %get3A_365 = tpu.vector_load %arg7[%get3A, %get3A_364] {strides = array<i32>} : memref<128x64xf32, #tpu.memory_space<vmem>>, vector<16xf32>,
          %get3A_366 = arith.index_cast %add3A_360 : i32 to index
          %get3A_367 = arith.constant 16 : index
          %get3A_368 = tpu.vector_load %arg7[%get3A_366, %get3A_367] {strides = array<i32>} : memref<128x64xf32, #tpu.memory_space<vmem>>, vector<16xf32>,
          %get3A_369 = arith.index_cast %add3A_360 : i32 to index
          %get3A_370 = arith.constant 32 : index
          %get3A_371 = tpu.vector_load %arg7[%get3A_369, %get3A_370] {strides = array<i32>} : memref<128x64xf32, #tpu.memory_space<vmem>>, vector<16xf32>,
          %get3A_372 = arith.index_cast %add3A_360 : i32 to index
          %get3A_373 = arith.constant 48 : index
          %get3A_374 = tpu.vector_load %arg7[%get3A_372, %get3A_373] {strides = array<i32>} : memref<128x64xf32, #tpu.memory_space<vmem>>, vector<16xf32>,
          tpu.vector_store_idx %arg9[%shift_right_logical3A_7, %and3A_30, %add3A_363], %get3A_365 : memref<8x8x129xf32, #tpu.memory_space<vmem>>[vector<16xi32>, vector<16xi32>, vector<16xi32>], vector<16xf32>,
          tpu.vector_store_idx %arg9[%shift_right_logical3A_13, %and3A_36, %add3A_363], %get3A_368 : memref<8x8x129xf32, #tpu.memory_space<vmem>>[vector<16xi32>, vector<16xi32>, vector<16xi32>], vector<16xf32>,
          tpu.vector_store_idx %arg9[%shift_right_logical3A_19, %and3A_42, %add3A_363], %get3A_371 : memref<8x8x129xf32, #tpu.memory_space<vmem>>[vector<16xi32>, vector<16xi32>, vector<16xi32>], vector<16xf32>,
          tpu.vector_store_idx %arg9[%shift_right_logical3A_25, %and3A_48, %add3A_363], %get3A_374 : memref<8x8x129xf32, #tpu.memory_space<vmem>>[vector<16xi32>, vector<16xi32>, vector<16xi32>], vector<16xf32>,
          %mul3A_375 = arith.constant 8 : i32
          %mul3A_376 = arith.muli %mul3A_375, %scan3A_354 : i32
          %add3A_377 = arith.constant 1 : i32
          %add3A_378 = arith.addi %mul3A_376, %add3A_377 : i32
          %add3A_379 = arith.constant 1 : i32
          %add3A_380 = vector.broadcast %add3A_379 : i32 to vector<16xi32>
          %add3A_381 = arith.addi %broadcast_in_dim3A, %add3A_380 : vector<16xi32>
          %get3A_382 = arith.index_cast %add3A_378 : i32 to index
          %get3A_383 = arith.constant 0 : index
          %get3A_384 = tpu.vector_load %arg7[%get3A_382, %get3A_383] {strides = array<i32>} : memref<128x64xf32, #tpu.memory_space<vmem>>, vector<16xf32>,
          %get3A_385 = arith.index_cast %add3A_378 : i32 to index
          %get3A_386 = arith.constant 16 : index
          %get3A_387 = tpu.vector_load %arg7[%get3A_385, %get3A_386] {strides = array<i32>} : memref<128x64xf32, #tpu.memory_space<vmem>>, vector<16xf32>,
          %get3A_388 = arith.index_cast %add3A_378 : i32 to index
          %get3A_389 = arith.constant 32 : index
          %get3A_390 = tpu.vector_load %arg7[%get3A_388, %get3A_389] {strides = array<i32>} : memref<128x64xf32, #tpu.memory_space<vmem>>, vector<16xf32>,
          %get3A_391 = arith.index_cast %add3A_378 : i32 to index
          %get3A_392 = arith.constant 48 : index
          %get3A_393 = tpu.vector_load %arg7[%get3A_391, %get3A_392] {strides = array<i32>} : memref<128x64xf32, #tpu.memory_space<vmem>>, vector<16xf32>,
          tpu.vector_store_idx %arg9[%shift_right_logical3A_7, %and3A_30, %add3A_381], %get3A_384 : memref<8x8x129xf32, #tpu.memory_space<vmem>>[vector<16xi32>, vector<16xi32>, vector<16xi32>], vector<16xf32>,
          tpu.vector_store_idx %arg9[%shift_right_logical3A_13, %and3A_36, %add3A_381], %get3A_387 : memref<8x8x129xf32, #tpu.memory_space<vmem>>[vector<16xi32>, vector<16xi32>, vector<16xi32>], vector<16xf32>,
          tpu.vector_store_idx %arg9[%shift_right_logical3A_19, %and3A_42, %add3A_381], %get3A_390 : memref<8x8x129xf32, #tpu.memory_space<vmem>>[vector<16xi32>, vector<16xi32>, vector<16xi32>], vector<16xf32>,
          tpu.vector_store_idx %arg9[%shift_right_logical3A_25, %and3A_48, %add3A_381], %get3A_393 : memref<8x8x129xf32, #tpu.memory_space<vmem>>[vector<16xi32>, vector<16xi32>, vector<16xi32>], vector<16xf32>,
          %mul3A_394 = arith.constant 8 : i32
          %mul3A_395 = arith.muli %mul3A_394, %scan3A_354 : i32
          %add3A_396 = arith.constant 2 : i32
          %add3A_397 = arith.addi %mul3A_395, %add3A_396 : i32
          %add3A_398 = arith.constant 2 : i32
          %add3A_399 = vector.broadcast %add3A_398 : i32 to vector<16xi32>
          %add3A_400 = arith.addi %broadcast_in_dim3A, %add3A_399 : vector<16xi32>
          %get3A_401 = arith.index_cast %add3A_397 : i32 to index
          %get3A_402 = arith.constant 0 : index
          %get3A_403 = tpu.vector_load %arg7[%get3A_401, %get3A_402] {strides = array<i32>} : memref<128x64xf32, #tpu.memory_space<vmem>>, vector<16xf32>,
          %get3A_404 = arith.index_cast %add3A_397 : i32 to index
          %get3A_405 = arith.constant 16 : index
          %get3A_406 = tpu.vector_load %arg7[%get3A_404, %get3A_405] {strides = array<i32>} : memref<128x64xf32, #tpu.memory_space<vmem>>, vector<16xf32>,
          %get3A_407 = arith.index_cast %add3A_397 : i32 to index
          %get3A_408 = arith.constant 32 : index
          %get3A_409 = tpu.vector_load %arg7[%get3A_407, %get3A_408] {strides = array<i32>} : memref<128x64xf32, #tpu.memory_space<vmem>>, vector<16xf32>,
          %get3A_410 = arith.index_cast %add3A_397 : i32 to index
          %get3A_411 = arith.constant 48 : index
          %get3A_412 = tpu.vector_load %arg7[%get3A_410, %get3A_411] {strides = array<i32>} : memref<128x64xf32, #tpu.memory_space<vmem>>, vector<16xf32>,
          tpu.vector_store_idx %arg9[%shift_right_logical3A_7, %and3A_30, %add3A_400], %get3A_403 : memref<8x8x129xf32, #tpu.memory_space<vmem>>[vector<16xi32>, vector<16xi32>, vector<16xi32>], vector<16xf32>,
          tpu.vector_store_idx %arg9[%shift_right_logical3A_13, %and3A_36, %add3A_400], %get3A_406 : memref<8x8x129xf32, #tpu.memory_space<vmem>>[vector<16xi32>, vector<16xi32>, vector<16xi32>], vector<16xf32>,
          tpu.vector_store_idx %arg9[%shift_right_logical3A_19, %and3A_42, %add3A_400], %get3A_409 : memref<8x8x129xf32, #tpu.memory_space<vmem>>[vector<16xi32>, vector<16xi32>, vector<16xi32>], vector<16xf32>,
          tpu.vector_store_idx %arg9[%shift_right_logical3A_25, %and3A_48, %add3A_400], %get3A_412 : memref<8x8x129xf32, #tpu.memory_space<vmem>>[vector<16xi32>, vector<16xi32>, vector<16xi32>], vector<16xf32>,
          %mul3A_413 = arith.constant 8 : i32
          %mul3A_414 = arith.muli %mul3A_413, %scan3A_354 : i32
          %add3A_415 = arith.constant 3 : i32
          %add3A_416 = arith.addi %mul3A_414, %add3A_415 : i32
          %add3A_417 = arith.constant 3 : i32
          %add3A_418 = vector.broadcast %add3A_417 : i32 to vector<16xi32>
          %add3A_419 = arith.addi %broadcast_in_dim3A, %add3A_418 : vector<16xi32>
          %get3A_420 = arith.index_cast %add3A_416 : i32 to index
          %get3A_421 = arith.constant 0 : index
          %get3A_422 = tpu.vector_load %arg7[%get3A_420, %get3A_421] {strides = array<i32>} : memref<128x64xf32, #tpu.memory_space<vmem>>, vector<16xf32>,
          %get3A_423 = arith.index_cast %add3A_416 : i32 to index
          %get3A_424 = arith.constant 16 : index
          %get3A_425 = tpu.vector_load %arg7[%get3A_423, %get3A_424] {strides = array<i32>} : memref<128x64xf32, #tpu.memory_space<vmem>>, vector<16xf32>,
          %get3A_426 = arith.index_cast %add3A_416 : i32 to index
          %get3A_427 = arith.constant 32 : index
          %get3A_428 = tpu.vector_load %arg7[%get3A_426, %get3A_427] {strides = array<i32>} : memref<128x64xf32, #tpu.memory_space<vmem>>, vector<16xf32>,
          %get3A_429 = arith.index_cast %add3A_416 : i32 to index
          %get3A_430 = arith.constant 48 : index
          %get3A_431 = tpu.vector_load %arg7[%get3A_429, %get3A_430] {strides = array<i32>} : memref<128x64xf32, #tpu.memory_space<vmem>>, vector<16xf32>,
          tpu.vector_store_idx %arg9[%shift_right_logical3A_7, %and3A_30, %add3A_419], %get3A_422 : memref<8x8x129xf32, #tpu.memory_space<vmem>>[vector<16xi32>, vector<16xi32>, vector<16xi32>], vector<16xf32>,
          tpu.vector_store_idx %arg9[%shift_right_logical3A_13, %and3A_36, %add3A_419], %get3A_425 : memref<8x8x129xf32, #tpu.memory_space<vmem>>[vector<16xi32>, vector<16xi32>, vector<16xi32>], vector<16xf32>,
          tpu.vector_store_idx %arg9[%shift_right_logical3A_19, %and3A_42, %add3A_419], %get3A_428 : memref<8x8x129xf32, #tpu.memory_space<vmem>>[vector<16xi32>, vector<16xi32>, vector<16xi32>], vector<16xf32>,
          tpu.vector_store_idx %arg9[%shift_right_logical3A_25, %and3A_48, %add3A_419], %get3A_431 : memref<8x8x129xf32, #tpu.memory_space<vmem>>[vector<16xi32>, vector<16xi32>, vector<16xi32>], vector<16xf32>,
          %mul3A_432 = arith.constant 8 : i32
          %mul3A_433 = arith.muli %mul3A_432, %scan3A_354 : i32
          %add3A_434 = arith.constant 4 : i32
          %add3A_435 = arith.addi %mul3A_433, %add3A_434 : i32
          %add3A_436 = arith.constant 4 : i32
          %add3A_437 = vector.broadcast %add3A_436 : i32 to vector<16xi32>
          %add3A_438 = arith.addi %broadcast_in_dim3A, %add3A_437 : vector<16xi32>
          %get3A_439 = arith.index_cast %add3A_435 : i32 to index
          %get3A_440 = arith.constant 0 : index
          %get3A_441 = tpu.vector_load %arg7[%get3A_439, %get3A_440] {strides = array<i32>} : memref<128x64xf32, #tpu.memory_space<vmem>>, vector<16xf32>,
          %get3A_442 = arith.index_cast %add3A_435 : i32 to index
          %get3A_443 = arith.constant 16 : index
          %get3A_444 = tpu.vector_load %arg7[%get3A_442, %get3A_443] {strides = array<i32>} : memref<128x64xf32, #tpu.memory_space<vmem>>, vector<16xf32>,
          %get3A_445 = arith.index_cast %add3A_435 : i32 to index
          %get3A_446 = arith.constant 32 : index
          %get3A_447 = tpu.vector_load %arg7[%get3A_445, %get3A_446] {strides = array<i32>} : memref<128x64xf32, #tpu.memory_space<vmem>>, vector<16xf32>,
          %get3A_448 = arith.index_cast %add3A_435 : i32 to index
          %get3A_449 = arith.constant 48 : index
          %get3A_450 = tpu.vector_load %arg7[%get3A_448, %get3A_449] {strides = array<i32>} : memref<128x64xf32, #tpu.memory_space<vmem>>, vector<16xf32>,
          tpu.vector_store_idx %arg9[%shift_right_logical3A_7, %and3A_30, %add3A_438], %get3A_441 : memref<8x8x129xf32, #tpu.memory_space<vmem>>[vector<16xi32>, vector<16xi32>, vector<16xi32>], vector<16xf32>,
          tpu.vector_store_idx %arg9[%shift_right_logical3A_13, %and3A_36, %add3A_438], %get3A_444 : memref<8x8x129xf32, #tpu.memory_space<vmem>>[vector<16xi32>, vector<16xi32>, vector<16xi32>], vector<16xf32>,
          tpu.vector_store_idx %arg9[%shift_right_logical3A_19, %and3A_42, %add3A_438], %get3A_447 : memref<8x8x129xf32, #tpu.memory_space<vmem>>[vector<16xi32>, vector<16xi32>, vector<16xi32>], vector<16xf32>,
          tpu.vector_store_idx %arg9[%shift_right_logical3A_25, %and3A_48, %add3A_438], %get3A_450 : memref<8x8x129xf32, #tpu.memory_space<vmem>>[vector<16xi32>, vector<16xi32>, vector<16xi32>], vector<16xf32>,
          %mul3A_451 = arith.constant 8 : i32
          %mul3A_452 = arith.muli %mul3A_451, %scan3A_354 : i32
          %add3A_453 = arith.constant 5 : i32
          %add3A_454 = arith.addi %mul3A_452, %add3A_453 : i32
          %add3A_455 = arith.constant 5 : i32
          %add3A_456 = vector.broadcast %add3A_455 : i32 to vector<16xi32>
          %add3A_457 = arith.addi %broadcast_in_dim3A, %add3A_456 : vector<16xi32>
          %get3A_458 = arith.index_cast %add3A_454 : i32 to index
          %get3A_459 = arith.constant 0 : index
          %get3A_460 = tpu.vector_load %arg7[%get3A_458, %get3A_459] {strides = array<i32>} : memref<128x64xf32, #tpu.memory_space<vmem>>, vector<16xf32>,
          %get3A_461 = arith.index_cast %add3A_454 : i32 to index
          %get3A_462 = arith.constant 16 : index
          %get3A_463 = tpu.vector_load %arg7[%get3A_461, %get3A_462] {strides = array<i32>} : memref<128x64xf32, #tpu.memory_space<vmem>>, vector<16xf32>,
          %get3A_464 = arith.index_cast %add3A_454 : i32 to index
          %get3A_465 = arith.constant 32 : index
          %get3A_466 = tpu.vector_load %arg7[%get3A_464, %get3A_465] {strides = array<i32>} : memref<128x64xf32, #tpu.memory_space<vmem>>, vector<16xf32>,
          %get3A_467 = arith.index_cast %add3A_454 : i32 to index
          %get3A_468 = arith.constant 48 : index
          %get3A_469 = tpu.vector_load %arg7[%get3A_467, %get3A_468] {strides = array<i32>} : memref<128x64xf32, #tpu.memory_space<vmem>>, vector<16xf32>,
          tpu.vector_store_idx %arg9[%shift_right_logical3A_7, %and3A_30, %add3A_457], %get3A_460 : memref<8x8x129xf32, #tpu.memory_space<vmem>>[vector<16xi32>, vector<16xi32>, vector<16xi32>], vector<16xf32>,
          tpu.vector_store_idx %arg9[%shift_right_logical3A_13, %and3A_36, %add3A_457], %get3A_463 : memref<8x8x129xf32, #tpu.memory_space<vmem>>[vector<16xi32>, vector<16xi32>, vector<16xi32>], vector<16xf32>,
          tpu.vector_store_idx %arg9[%shift_right_logical3A_19, %and3A_42, %add3A_457], %get3A_466 : memref<8x8x129xf32, #tpu.memory_space<vmem>>[vector<16xi32>, vector<16xi32>, vector<16xi32>], vector<16xf32>,
          tpu.vector_store_idx %arg9[%shift_right_logical3A_25, %and3A_48, %add3A_457], %get3A_469 : memref<8x8x129xf32, #tpu.memory_space<vmem>>[vector<16xi32>, vector<16xi32>, vector<16xi32>], vector<16xf32>,
          %mul3A_470 = arith.constant 8 : i32
          %mul3A_471 = arith.muli %mul3A_470, %scan3A_354 : i32
          %add3A_472 = arith.constant 6 : i32
          %add3A_473 = arith.addi %mul3A_471, %add3A_472 : i32
          %add3A_474 = arith.constant 6 : i32
          %add3A_475 = vector.broadcast %add3A_474 : i32 to vector<16xi32>
          %add3A_476 = arith.addi %broadcast_in_dim3A, %add3A_475 : vector<16xi32>
          %get3A_477 = arith.index_cast %add3A_473 : i32 to index
          %get3A_478 = arith.constant 0 : index
          %get3A_479 = tpu.vector_load %arg7[%get3A_477, %get3A_478] {strides = array<i32>} : memref<128x64xf32, #tpu.memory_space<vmem>>, vector<16xf32>,
          %get3A_480 = arith.index_cast %add3A_473 : i32 to index
          %get3A_481 = arith.constant 16 : index
          %get3A_482 = tpu.vector_load %arg7[%get3A_480, %get3A_481] {strides = array<i32>} : memref<128x64xf32, #tpu.memory_space<vmem>>, vector<16xf32>,
          %get3A_483 = arith.index_cast %add3A_473 : i32 to index
          %get3A_484 = arith.constant 32 : index
          %get3A_485 = tpu.vector_load %arg7[%get3A_483, %get3A_484] {strides = array<i32>} : memref<128x64xf32, #tpu.memory_space<vmem>>, vector<16xf32>,
          %get3A_486 = arith.index_cast %add3A_473 : i32 to index
          %get3A_487 = arith.constant 48 : index
          %get3A_488 = tpu.vector_load %arg7[%get3A_486, %get3A_487] {strides = array<i32>} : memref<128x64xf32, #tpu.memory_space<vmem>>, vector<16xf32>,
          tpu.vector_store_idx %arg9[%shift_right_logical3A_7, %and3A_30, %add3A_476], %get3A_479 : memref<8x8x129xf32, #tpu.memory_space<vmem>>[vector<16xi32>, vector<16xi32>, vector<16xi32>], vector<16xf32>,
          tpu.vector_store_idx %arg9[%shift_right_logical3A_13, %and3A_36, %add3A_476], %get3A_482 : memref<8x8x129xf32, #tpu.memory_space<vmem>>[vector<16xi32>, vector<16xi32>, vector<16xi32>], vector<16xf32>,
          tpu.vector_store_idx %arg9[%shift_right_logical3A_19, %and3A_42, %add3A_476], %get3A_485 : memref<8x8x129xf32, #tpu.memory_space<vmem>>[vector<16xi32>, vector<16xi32>, vector<16xi32>], vector<16xf32>,
          tpu.vector_store_idx %arg9[%shift_right_logical3A_25, %and3A_48, %add3A_476], %get3A_488 : memref<8x8x129xf32, #tpu.memory_space<vmem>>[vector<16xi32>, vector<16xi32>, vector<16xi32>], vector<16xf32>,
          %mul3A_489 = arith.constant 8 : i32
          %mul3A_490 = arith.muli %mul3A_489, %scan3A_354 : i32
          %add3A_491 = arith.constant 7 : i32
          %add3A_492 = arith.addi %mul3A_490, %add3A_491 : i32
          %add3A_493 = arith.constant 7 : i32
          %add3A_494 = vector.broadcast %add3A_493 : i32 to vector<16xi32>
          %add3A_495 = arith.addi %broadcast_in_dim3A, %add3A_494 : vector<16xi32>
          %get3A_496 = arith.index_cast %add3A_492 : i32 to index
          %get3A_497 = arith.constant 0 : index
          %get3A_498 = tpu.vector_load %arg7[%get3A_496, %get3A_497] {strides = array<i32>} : memref<128x64xf32, #tpu.memory_space<vmem>>, vector<16xf32>,
          %get3A_499 = arith.index_cast %add3A_492 : i32 to index
          %get3A_500 = arith.constant 16 : index
          %get3A_501 = tpu.vector_load %arg7[%get3A_499, %get3A_500] {strides = array<i32>} : memref<128x64xf32, #tpu.memory_space<vmem>>, vector<16xf32>,
          %get3A_502 = arith.index_cast %add3A_492 : i32 to index
          %get3A_503 = arith.constant 32 : index
          %get3A_504 = tpu.vector_load %arg7[%get3A_502, %get3A_503] {strides = array<i32>} : memref<128x64xf32, #tpu.memory_space<vmem>>, vector<16xf32>,
          %get3A_505 = arith.index_cast %add3A_492 : i32 to index
          %get3A_506 = arith.constant 48 : index
          %get3A_507 = tpu.vector_load %arg7[%get3A_505, %get3A_506] {strides = array<i32>} : memref<128x64xf32, #tpu.memory_space<vmem>>, vector<16xf32>,
          tpu.vector_store_idx %arg9[%shift_right_logical3A_7, %and3A_30, %add3A_495], %get3A_498 : memref<8x8x129xf32, #tpu.memory_space<vmem>>[vector<16xi32>, vector<16xi32>, vector<16xi32>], vector<16xf32>,
          tpu.vector_store_idx %arg9[%shift_right_logical3A_13, %and3A_36, %add3A_495], %get3A_501 : memref<8x8x129xf32, #tpu.memory_space<vmem>>[vector<16xi32>, vector<16xi32>, vector<16xi32>], vector<16xf32>,
          tpu.vector_store_idx %arg9[%shift_right_logical3A_19, %and3A_42, %add3A_495], %get3A_504 : memref<8x8x129xf32, #tpu.memory_space<vmem>>[vector<16xi32>, vector<16xi32>, vector<16xi32>], vector<16xf32>,
          tpu.vector_store_idx %arg9[%shift_right_logical3A_25, %and3A_48, %add3A_495], %get3A_507 : memref<8x8x129xf32, #tpu.memory_space<vmem>>[vector<16xi32>, vector<16xi32>, vector<16xi32>], vector<16xf32>,
        }
        %scan3A_327 = arith.constant 16 : i32
        %add3A_328 = arith.constant 1 : i32
        %add3A_329 = arith.addi %mul3A_222, %add3A_328 : i32
        %shift_right_logical3A_330 = arith.constant 2 : i32
        %shift_right_logical3A_331 = arith.shrui %add3A_329, %shift_right_logical3A_330 : i32
        %and3A_332 = arith.constant 3 : i32
        %and3A_333 = arith.andi %add3A_329, %and3A_332 : i32
        %add3A_334 = arith.addi %mul3A_56, %shift_right_logical3A_331 : i32
        %add3A_335 = arith.addi %mul3A_2, %and3A_333 : i32
        %dma_start3A_336 = arith.constant 0 : i32
        %dma_start3A_337 = arith.constant 0 : i32
        %dma_start3A_338 = arith.constant 0 : i32
        %dma_start3A_339 = tpu.memref_slice %arg9[%dma_start3A_336, %dma_start3A_337, %dma_start3A_338] : memref<8x8x129xf32, #tpu.memory_space<vmem>> -> memref<8x8x128xf32, #tpu.memory_space<vmem>>
        %dma_start3A_340 = arith.constant 0 : i32
        %dma_start3A_341 = arith.constant 0 : i32
        %dma_start3A_342 = arith.constant 0 : i32
        %dma_start3A_343 = tpu.memref_slice %arg4[%add3A_334, %dma_start3A_340, %add3A_335, %dma_start3A_341, %dma_start3A_342] : memref<200x8x128x8x128xf32, #tpu.memory_space<hbm>> -> memref<1x8x1x8x128xf32, #tpu.memory_space<hbm>>
        %dma_start3A_344 = tpu.memref_squeeze %dma_start3A_343 : memref<1x8x1x8x128xf32, #tpu.memory_space<hbm>> -> memref<8x8x128xf32, #tpu.memory_space<hbm>>
        %dma_start3A_345 = arith.constant 0 : i32
        %dma_start3A_346 = arith.constant 0 : i32
        %dma_start3A_347 = arith.constant 0 : i32
        %dma_start3A_348 = tpu.memref_slice %arg4[%add3A_334, %dma_start3A_345, %add3A_335, %dma_start3A_346, %dma_start3A_347] : memref<200x8x128x8x128xf32, #tpu.memory_space<hbm>> -> memref<1x8x1x8x128xf32, #tpu.memory_space<hbm>>
        %dma_start3A_349 = tpu.memref_squeeze %dma_start3A_348 : memref<1x8x1x8x128xf32, #tpu.memory_space<hbm>> -> memref<8x8x128xf32, #tpu.memory_space<hbm>>
        %dma_start3A_350 = arith.constant 0 : i32
        %dma_start3A_351 = arith.constant 0 : i32
        %dma_start3A_352 = arith.constant 0 : i32
        %dma_start3A_353 = tpu.memref_slice %arg9[%dma_start3A_350, %dma_start3A_351, %dma_start3A_352] : memref<8x8x129xf32, #tpu.memory_space<vmem>> -> memref<8x8x128xf32, #tpu.memory_space<vmem>>
        tpu.enqueue_dma source(%dma_start3A_353 : memref<8x8x128xf32, #tpu.memory_space<vmem>>) target(%dma_start3A_349 : memref<8x8x128xf32, #tpu.memory_space<hbm>>) target_semaphore(%arg13 : memref<!tpu.dma_semaphore, #tpu.memory_space<semaphore_mem>>)
      }
      %scan3A_179 = arith.constant 199 : i32
      %dma_wait3A_180 = arith.constant 0 : i32
      %dma_wait3A_181 = arith.constant 0 : i32
      %dma_wait3A_182 = arith.constant 0 : i32
      %dma_wait3A_183 = arith.constant 0 : i32
      %dma_wait3A_184 = arith.constant 0 : i32
      %dma_wait3A_185 = tpu.memref_slice %arg8[%dma_wait3A_182, %dma_wait3A_183, %dma_wait3A_184] : memref<8x8x129xf32, #tpu.memory_space<vmem>> -> memref<8x8x128xf32, #tpu.memory_space<vmem>>
      %dma_wait3A_186 = arith.constant 0 : i32
      %dma_wait3A_187 = arith.constant 0 : i32
      %dma_wait3A_188 = arith.constant 0 : i32
      %dma_wait3A_189 = tpu.memref_slice %arg4[%dma_wait3A_180, %dma_wait3A_186, %dma_wait3A_181, %dma_wait3A_187, %dma_wait3A_188] : memref<200x8x128x8x128xf32, #tpu.memory_space<hbm>> -> memref<1x8x1x8x128xf32, #tpu.memory_space<hbm>>
      %dma_wait3A_190 = tpu.memref_squeeze %dma_wait3A_189 : memref<1x8x1x8x128xf32, #tpu.memory_space<hbm>> -> memref<8x8x128xf32, #tpu.memory_space<hbm>>
      %dma_wait3A_191 = arith.constant 0 : i32
      %dma_wait3A_192 = arith.constant 0 : i32
      %dma_wait3A_193 = arith.constant 0 : i32
      %dma_wait3A_194 = tpu.memref_slice %arg4[%dma_wait3A_180, %dma_wait3A_191, %dma_wait3A_181, %dma_wait3A_192, %dma_wait3A_193] : memref<200x8x128x8x128xf32, #tpu.memory_space<hbm>> -> memref<1x8x1x8x128xf32, #tpu.memory_space<hbm>>
      %dma_wait3A_195 = tpu.memref_squeeze %dma_wait3A_194 : memref<1x8x1x8x128xf32, #tpu.memory_space<hbm>> -> memref<8x8x128xf32, #tpu.memory_space<hbm>>
      %dma_wait3A_196 = arith.constant 0 : i32
      %dma_wait3A_197 = arith.constant 0 : i32
      %dma_wait3A_198 = arith.constant 0 : i32
      %dma_wait3A_199 = tpu.memref_slice %arg8[%dma_wait3A_196, %dma_wait3A_197, %dma_wait3A_198] : memref<8x8x129xf32, #tpu.memory_space<vmem>> -> memref<8x8x128xf32, #tpu.memory_space<vmem>>
      tpu.wait_dma2 semaphore(%arg12 : memref<!tpu.dma_semaphore, #tpu.memory_space<semaphore_mem>>) src(%dma_wait3A_199 : memref<8x8x128xf32, #tpu.memory_space<vmem>>) dst(%dma_wait3A_195 : memref<8x8x128xf32, #tpu.memory_space<hbm>>)
      %dma_wait3A_200 = arith.constant 0 : i32
      %dma_wait3A_201 = arith.constant 0 : i32
      %dma_wait3A_202 = arith.constant 0 : i32
      %dma_wait3A_203 = arith.constant 0 : i32
      %dma_wait3A_204 = arith.constant 0 : i32
      %dma_wait3A_205 = tpu.memref_slice %arg9[%dma_wait3A_202, %dma_wait3A_203, %dma_wait3A_204] : memref<8x8x129xf32, #tpu.memory_space<vmem>> -> memref<8x8x128xf32, #tpu.memory_space<vmem>>
      %dma_wait3A_206 = arith.constant 0 : i32
      %dma_wait3A_207 = arith.constant 0 : i32
      %dma_wait3A_208 = arith.constant 0 : i32
      %dma_wait3A_209 = tpu.memref_slice %arg4[%dma_wait3A_200, %dma_wait3A_206, %dma_wait3A_201, %dma_wait3A_207, %dma_wait3A_208] : memref<200x8x128x8x128xf32, #tpu.memory_space<hbm>> -> memref<1x8x1x8x128xf32, #tpu.memory_space<hbm>>
      %dma_wait3A_210 = tpu.memref_squeeze %dma_wait3A_209 : memref<1x8x1x8x128xf32, #tpu.memory_space<hbm>> -> memref<8x8x128xf32, #tpu.memory_space<hbm>>
      %dma_wait3A_211 = arith.constant 0 : i32
      %dma_wait3A_212 = arith.constant 0 : i32
      %dma_wait3A_213 = arith.constant 0 : i32
      %dma_wait3A_214 = tpu.memref_slice %arg4[%dma_wait3A_200, %dma_wait3A_211, %dma_wait3A_201, %dma_wait3A_212, %dma_wait3A_213] : memref<200x8x128x8x128xf32, #tpu.memory_space<hbm>> -> memref<1x8x1x8x128xf32, #tpu.memory_space<hbm>>
      %dma_wait3A_215 = tpu.memref_squeeze %dma_wait3A_214 : memref<1x8x1x8x128xf32, #tpu.memory_space<hbm>> -> memref<8x8x128xf32, #tpu.memory_space<hbm>>
      %dma_wait3A_216 = arith.constant 0 : i32
      %dma_wait3A_217 = arith.constant 0 : i32
      %dma_wait3A_218 = arith.constant 0 : i32
      %dma_wait3A_219 = tpu.memref_slice %arg9[%dma_wait3A_216, %dma_wait3A_217, %dma_wait3A_218] : memref<8x8x129xf32, #tpu.memory_space<vmem>> -> memref<8x8x128xf32, #tpu.memory_space<vmem>>
      tpu.wait_dma2 semaphore(%arg13 : memref<!tpu.dma_semaphore, #tpu.memory_space<semaphore_mem>>) src(%dma_wait3A_219 : memref<8x8x128xf32, #tpu.memory_space<vmem>>) dst(%dma_wait3A_215 : memref<8x8x128xf32, #tpu.memory_space<hbm>>)
    }
    %scan3A_53 = arith.constant 2 : i32
    return
  }
}

</mosaic_0001>

<sc_bundles>
// kernel: kernel.3.cloned.1.call-start
scs
__scs_entry_jumppad:
0x0: {  	(pc) =	sbr.rel $0x88, $3  }
0x1: {  	(tag) =	ssettag $0x0;
	lr =	simm.s32 $0x1  }
0x2: {  	[smem:$0x3F9F] =	sst lr;
	_ =	strace $0xD0000000  }
0x3: {  	_ = 	snop  }
0x4: {  	_ = 	snop  }
0x5: {  	_ = 	snop  }
0x6: {  	_ = 	snop  }
0x7: {  	_ = 	snop  }
__scs_overlays_trampoline_lowered:
0x8: {  	[smem:$0x3FAE] =	sst s0  }
0x9: {  	[smem:$0x3FAF] =	sst s1  }
0xa: {  	[smem:$0x3FB0] =	sst s2  }
0xb: {  	[smem:$0x3FB1] =	sst s3  }
0xc: {  	[smem:$0x3FB2] =	sst s4  }
0xd: {  	[smem:$0x3FB3] =	sst s5  }
0xe: {  	[smem:$0x3FB4] =	sst s6  }
0xf: {  	[smem:$0x3FB5] =	sst s7  }
0x10: {  	[smem:$0x3FB6] =	sst s8  }
0x11: {  	[smem:$0x3FB7] =	sst s9;
	s0 =	simm.s32 @!p0 $0x0  }
0x12: {  	s1 =	sld [smem:$0x3F9D];
	s0 =	simm.s32 @p0 $0x1  }
0x13: {  	[smem:$0x3FB8] =	sst s0;
	s0 =	simm.s32 @!p1 $0x0  }
0x14: {  	s2 =	sld [smem:$0x3F9C];
	s0 =	simm.s32 @p1 $0x1  }
0x15: {  	[smem:$0x3FB9] =	sst s0;
	s0 =	simm.s32 @!p2 $0x0  }
0x16: {  	s3 =	sld [smem:$0x3FDB];
	s0 =	simm.s32 @p2 $0x1  }
0x17: {  	s4 =	simm.s32 $0x1BF5;
	[smem:$0x3FBB] =	sst s0  }
0x18: {  	s0 =	sld [smem:$0x3F9E];
	_ =	swait.ge [sflag:s4], $0x0  }
0x19: {  	s7 =	sld [smem:$0x3F9F]  }
0x1a: {  	s8 =	sadd.s32 $0xFFFFE003, lr  }
0x1b: {  	s9 =	sadd.s32 $0xFFFFFEF7, lr;
	s5 =	simm.s32 $0xFFFFFFFF;
	p2 =	slt.u32 s8, $0xFFFFF086  }
0x1c: {  	p1 =	slt.u32 s9, $0xF7A;
	s5 =	simm.s32 @!p2 $0x0  }
0x1d: {  	s5 =	simm.s32 @p1 $0x1;
	p0 =	seq.s32 s7, s2  }
0x1e: {  	s7 =	smul.u32 @!p0 $0xF7A, s2;
	p2 =	seq.s32 @!p0 s5, $0x0  }
0x1f: {  	s9 =	smul.u32 $0xF7A, s1;
	s8 =	simm.s32 @!p0 $0x1BF5;
	p2 =	por !p2, p0  }
0x20: {  	[sflag:s8] =	ssyncset.s32 @!p0 $0xFFFFF086;
	s6 =	sadd.s32 @!p0 s3, s7;
	s7 =	simm.s32 @!p0 $0x108  }
0x21: {  	s3 =	sadd.s32 s3, s9;
	s6 =	sadd.s32 @!p0 $0x88, s6;
	s7 =	simm.s32 @p2 $0x1082  }
0x22: {  	[simem:s7], [sflag:s8] =	dma.local @!p0 [hbm:s6], $0xF7A  }
0x23: {  	s9 =	sor.u32 $0xD0000000, s2;
	s6 =	simm.s32 $0x108;
	_ =	swait.ge @!p0 [sflag:s8], $0x0  }
0x24: {  	s3 =	sadd.s32 $0x88, s3;
	s6 =	simm.s32 @!p1 $0x1082;
	[sflag:s4] =	ssyncset.s32 $0xFFFFF086  }
0x25: {  	[simem:s6], [sflag:s4] =	dma.local [hbm:s3], $0xF7A  }
0x26: {  	[smem:$0x3F9F] =	sst s1;
	(tag) =	ssettag s2;
	_ =	strace s9  }
0x27: {  	s1 =	sld [smem:$0x3FAF]  }
0x28: {  	s2 =	sld [smem:$0x3FB0]  }
0x29: {  	s4 =	sld [smem:$0x3FB2]  }
0x2a: {  	p0 =	seq.s32 s5, $0x0;
	s5 =	sld [smem:$0x3FB3]  }
0x2b: {  	s6 =	sld [smem:$0x3FB4]  }
0x2c: {  	s7 =	sld [smem:$0x3FB5]  }
0x2d: {  	s3 =	simm.s32 $0x108;
	s8 =	sld [smem:$0x3FB6]  }
0x2e: {  	s3 =	simm.s32 @!p0 $0x1082;
	s9 =	sld [smem:$0x3FB7]  }
0x2f: {  	lr =	sadd.s32 s0, s3;
	s0 =	sld [smem:$0x3FAE]  }
0x30: {  	s3 =	sld [smem:$0x3FB1]  }
0x31: {  	[smem:$0x3FBA] =	sst s10  }
0x32: {  	s10 =	sld [smem:$0x3FB8];
	_ =	sdelay $0x3  }
0x33: {  	p0 =	seq.s32 s10, $0x1;
	s10 =	sld [smem:$0x3FBA];
	_ =	sdelay $0x3  }
0x34: {  	[smem:$0x3FBA] =	sst s10  }
0x35: {  	s10 =	sld [smem:$0x3FB9];
	_ =	sdelay $0x3  }
0x36: {  	p1 =	seq.s32 s10, $0x1;
	s10 =	sld [smem:$0x3FBA];
	_ =	sdelay $0x3  }
0x37: {  	[smem:$0x3FBA] =	sst s10  }
0x38: {  	s10 =	sld [smem:$0x3FBB]  }
0x39: {  	_ = 	snop;
	(pc) =	sbr.ind lr, $3  }
0x3a: {  	_ = 	snop  }
0x3b: {  	_ = 	snop  }
0x3c: {  	p2 =	seq.s32 s10, $0x1;
	s10 =	sld [smem:$0x3FBA]  }
0x3d: {  	_ =	shalt  }
0x3e: {  	_ =	shalt  }
0x3f: {  	_ =	shalt  }
0x40: {  	_ =	shalt  }
0x41: {  	_ =	shalt  }
0x42: {  	_ =	shalt  }
0x43: {  	_ =	shalt  }
0x44: {  	_ =	shalt  }
0x45: {  	_ =	shalt  }
0x46: {  	_ =	shalt  }
0x47: {  	_ =	shalt  }
0x48: {  	_ =	shalt  }
0x49: {  	_ =	shalt  }
0x4a: {  	_ =	shalt  }
0x4b: {  	_ =	shalt  }
0x4c: {  	_ =	shalt  }
0x4d: {  	_ =	shalt  }
0x4e: {  	_ =	shalt  }
0x4f: {  	_ =	shalt  }
0x50: {  	_ =	shalt  }
0x51: {  	_ =	shalt  }
0x52: {  	_ =	shalt  }
0x53: {  	_ =	shalt  }
0x54: {  	_ =	shalt  }
0x55: {  	_ =	shalt  }
0x56: {  	_ =	shalt  }
0x57: {  	_ =	shalt  }
0x58: {  	_ =	shalt  }
0x59: {  	_ =	shalt  }
0x5a: {  	_ =	shalt  }
0x5b: {  	_ =	shalt  }
0x5c: {  	_ =	shalt  }
0x5d: {  	_ =	shalt  }
0x5e: {  	_ =	shalt  }
0x5f: {  	_ =	shalt  }
0x60: {  	_ =	shalt  }
0x61: {  	_ =	shalt  }
0x62: {  	_ =	shalt  }
0x63: {  	_ =	shalt  }
0x64: {  	_ =	shalt  }
0x65: {  	_ =	shalt  }
0x66: {  	_ =	shalt  }
0x67: {  	_ =	shalt  }
0x68: {  	_ =	shalt  }
0x69: {  	_ =	shalt  }
0x6a: {  	_ =	shalt  }
0x6b: {  	_ =	shalt  }
0x6c: {  	_ =	shalt  }
0x6d: {  	_ =	shalt  }
0x6e: {  	_ =	shalt  }
0x6f: {  	_ =	shalt  }
0x70: {  	_ =	shalt  }
0x71: {  	_ =	shalt  }
0x72: {  	_ =	shalt  }
0x73: {  	_ =	shalt  }
0x74: {  	_ =	shalt  }
0x75: {  	_ =	shalt  }
0x76: {  	_ =	shalt  }
0x77: {  	_ =	shalt  }
0x78: {  	_ =	shalt  }
0x79: {  	_ =	shalt  }
0x7a: {  	_ =	shalt  }
0x7b: {  	_ =	shalt  }
0x7c: {  	_ =	shalt  }
0x7d: {  	_ =	shalt  }
0x7e: {  	_ =	shalt  }
0x7f: {  	_ =	shalt  }
0x80: {  	_ =	shalt  }
0x81: {  	_ =	shalt  }
0x82: {  	_ =	shalt  }
0x83: {  	_ =	shalt  }
0x84: {  	_ =	shalt  }
0x85: {  	_ =	shalt  }
0x86: {  	_ =	shalt  }
0x87: {  	_ =	shalt  }
.Lfunc_end0:
.L_simem_size_0:
called_computation_lowered:
.L_overlay_start_0:
0x88: {  	s2 =	sld [smem:$0x3FD9]  }
0x89: {  	s3 =	sld [smem:$0x3FFE];
	_ =	sdelay $0x1  }
0x8a: {  	s1 =	srdreg.scid  }
0x8b: {  	s0 =	sand.u32 $0x1, s1  }
0x8c: {  	s17 =	sshll.u32 s0, $0xA;
	s2 =	sadd.s32 s3, s2  }
0x8d: {  	s2 =	sadd.s32 s2, s17  }
0x8e: {  	[smem:$0x3FC6] =	sst s2  }
0x8f: {  	_ = 	snop  }
0x90: {  	s2 =	sld [smem:$0x3FD0];
	(tm) =	ssettm $0x1  }
0x91: {  	s18 =	sld [smem:$0x3FFB];
	_ =	sdelay $0x3  }
0x92: {  	_ =	strace s18  }
0x93: {  	s3 =	sld [smem:$0x3FFC];
	_ =	sdelay $0x3  }
0x94: {  	_ =	strace s3  }
0x95: {  	s3 =	sld [smem:$0x3FFD];
	_ =	sdelay $0x3  }
0x96: {  	_ =	strace s3  }
0x97: {  	_ =	strace $0x8FFFFFFF  }
0x98: {  	s19 =	sld [smem:$0x3FDB];
	_ =	sdelay $0x1  }
0x99: {  	s4 =	simm.s32 $_scs_section_size  }
0x9a: {  	s5 =	simm.s32 $_size__tile_overlayer_lowered;
	s6 =	simm.s32 $_tile_overlayer_lowered  }
0x9b: {  	s22 =	simm.s32 $0x1BFF;
	s21 =	sshll.u32 s6, $0x1;
	s3 =	sadd.s32 s4, s19  }
0x9c: {  	s7 =	simm.s32 $0x0;
	s20 =	sshll.u32 s5, $0x1;
	s5 =	sadd.s32 s21, s3  }
0x9d: {  	[timem:s7], [sflag:s22] =	dma.local [hbm:s5], s20  }
0x9e: {  	_ =	swait.ge [sflag:s22], s20  }
0x9f: {  	s4 =	ssub.s32 $0x0, s20;
	[sflag:s22] =	ssyncset.done $0x0  }
0xa0: {  	[sflag:s22] =	ssyncadd.s32 s4;
	_ =	sdelay $0x1  }
0xa1: {  	s23 =	simm.s32 $0x1B8B  }
0xa2: {  	_ =	swait.ge [sflag:s23], $0x1  }
0xa3: {  	[sflag:s23] =	ssyncset.done $0x0  }
0xa4: {  	s25 =	simm.s32 $0x1B8E;
	s24 =	sld [smem:$0x3FFE];
	[sflag:s23] =	ssyncadd.s32 $0xFFFFFFFF  }
0xa5: {  	s26 =	simm.s32 $execute0_lowered;
	[smem:$0x3FD2] =	sst s25  }
0xa6: {  	s5 =	sshll.u32 s26, $0x1;
	_ =	strace $0x80000046;
	[dreg:$0x1] =	wrdreg $0xFFFFFFFF  }
0xa7: {  	s28 =	simm.s32 $_size_execute0_lowered;
	s3 =	sadd.s32 s3, s5;
	[dreg:$0x0] =	wrdreg $0x0  }
0xa8: {  	s5 =	sshll.u32 s28, $0x1;
	[dreg:$0x2] =	wrdreg s3  }
0xa9: {  	[dreg:$0x3] =	wrdreg s5  }
0xaa: {  	[dreg:$0x4] =	wrdreg $0xC0  }
0xab: {  	_ =	task [dreg:s7], $0x5FFFF  }
0xac: {  	[dreg:$0x1] =	wrdreg $0xFFFFFFFF  }
0xad: {  	[dreg:$0x0] =	wrdreg $0x60  }
0xae: {  	[dreg:$0x2] =	wrdreg s24  }
0xaf: {  	[dreg:$0x3] =	wrdreg s2  }
0xb0: {  	[dreg:$0x4] =	wrdreg $0x9  }
0xb1: {  	_ =	task.clear_ibuf [dreg:s7], $0x5FFFF;
	_ =	strace $0x90000046  }
0xb2: {  	s29 =	simm.s32 $0x9;
	_ =	strace $0x80000048  }
0xb3: {  	_ =	swait.ge [sflag:s29], $0x1  }
0xb4: {  	[sflag:s29] =	ssyncadd.s32 $0xFFFFFFFF  }
0xb5: {  	_ =	strace $0x90000048  }
0xb6: {  	_ =	sfence  }
0xb7: {  	s30 =	sld [smem:$0x0];
	_ =	sdelay $0x2  }
0xb8: {  	s31 =	sshll.u32 s1, $0xD;
	s1 =	sshrl.u32 s1, $0x2  }
0xb9: {  	s3 =	sand.u32 $0x4000, s31;
	s1 =	sadd.s32 s1, s30  }
0xba: {  	s0 =	sor.u32 s3, s0;
	s1 =	sshll.u32 s1, $0x11  }
0xbb: {  	s0 =	sor.u32 s1, s0  }
0xbc: {  	s0 =	sadd.s32 $0x8F2B, s0  }
0xbd: {  	[sflag:s0] =	ssyncadd.remote.s32 $0x1  }
0xbe: {  	_ =	sfence.sel $0xFFFF  }
0xbf: {  	[dreg:$0x0] =	wrdreg $0xFFFFFFFF;
	(pc) =	sbr.abs _section_cstart, $3  }
0xc0: {  	[dreg:$0x1] =	wrdreg $0xFFFFFFFF  }
0xc1: {  	_ =	task.clear_ibuf [dreg:s7], $0x2FFFF;
	_ =	strace $0x9FFFFFFF  }
0xc2: {  	(tm) =	ssettm $0x7FFFFFFF  }
0xc3: {  	_ =	shalt  }
tec
execute0_lowered:
.L_overlay_start_1:
0x0: {  	(tag) =	ssettag $0x1  }
0x1: {  	v0 =	vlaneseq.u32  }
0x2: {  	s0 =	rddreg [dreg:$0x0];
	v0 =	vmul.u32 $0x88, v0  }
0x3: {  	s1 =	rddreg [dreg:$0x1]  }
0x4: {  	s3 =	simm.s32 $0x0;
	s2 =	srdreg.scid;
	s4 =	stileid.u32;
	v1 =	vadd.s32 $0x880, v0  }
0x5: {  	s11 =	simm.s32 $0x200;
	s12 =	simm.s32 $0x4000;
	s13 =	simm.s32 $0x5;
	v2 =	vadd.s32 $0x1100, v0;
	v3 =	vadd.s32 $0x1980, v0;
	v4 =	vor.u32 $0x1, v0  }
0x6: {  	s14 =	simm.s32 $0x80;
	s15 =	simm.s32 $0xC800;
	s16 =	simm.s32 $0xE800;
	v5 =	vadd.s32 $0x881, v0;
	v6 =	vadd.s32 $0x1101, v0;
	v7 =	vadd.s32 $0x1981, v0  }
0x7: {  	s17 =	simm.s32 $0x1;
	s18 =	simm.s32 $0x10800;
	s19 =	simm.s32 $0x100;
	v8 =	vor.u32 $0x2, v0;
	v9 =	vadd.s32 $0x882, v0;
	v10 =	vadd.s32 $0x1102, v0  }
0x8: {  	s20 =	simm.s32 $0x2;
	s21 =	simm.s32 $0x12A00;
	s22 =	simm.s32 $0x3;
	v11 =	vadd.s32 $0x1982, v0;
	v12 =	vor.u32 $0x3, v0;
	v13 =	vadd.s32 $0x883, v0  }
0x9: {  	s23 =	simm.s32 $0x4;
	[smem:$0x7FF] =	sst s3;
	s2 =	sand.u32 $0x1, s2;
	v14 =	vadd.s32 $0x1103, v0;
	v15 =	vadd.s32 $0x1983, v0;
	v16 =	vor.u32 $0x4, v0  }
0xa: {  	s5 =	sshll.u32 s4, $0x1;
	s4 =	sadd.s32 $0x600, s0;
	s6 =	ssub.s32 $0x2, s2;
	v17 =	vadd.s32 $0x884, v0;
	v18 =	vadd.s32 $0x1104, v0;
	v19 =	vadd.s32 $0x1984, v0  }
0xb: {  	_ =	strace $0x80000047;
	s2 =	sor.u32 s2, s5;
	s7 =	sshrl.u32 s6, $0x1;
	v20 =	vor.u32 $0x5, v0;
	v21 =	vadd.s32 $0x885, v0;
	v22 =	vadd.s32 $0x1105, v0  }
0xc: {  	s5 =	sadd.s32 $0x64600, s0;
	s8 =	sshll.u32 s2, $0x9;
	v23 =	vadd.s32 $0x1985, v0;
	v24 =	vor.u32 $0x6, v0;
	v25 =	vadd.s32 $0x886, v0;
	s31 =	ssub.s32 s6, s7  }
0xd: {  	v26 =	vadd.s32 $0x1106, v0;
	v27 =	vadd.s32 $0x1986, v0;
	v28 =	vor.u32 $0x7, v0;
	s6 =	sshll.u32 s2, $0xC;
	s7 =	sshll.u32 s2, $0x2;
	s0 =	smax.u32 s31, $0x1  }
0xe: {  	v29 =	vadd.s32 $0x887, v0;
	v30 =	vadd.s32 $0x1107, v0;
	v31 =	vadd.s32 $0x1987, v0;
	s2 =	simm.s32 $0x0;
	s9 =	sor.u32 $0x400, s6;
	[dreg:$0x3] =	wrdreg s0  }
.LBB2_1:
0xf: {  	[dreg:$0x4] =	wrdreg s2;
	p1 =	por $0x1, $0x1;
	s25 =	simm.s32 $0x0  }
.LBB2_2:
0x10: {  	s0 =	smul.u32 $0x190000, s25;
	_ =	sdelay $0x1  }
0x11: {  	s0 =	sor.u32 s8, s0  }
0x12: {  	s0 =	sshrl.u32 s0, $0x3  }
0x13: {  	s31 =	simm.s32 $0x0;
	s2 =	sadd.s32 s4, s0  }
0x14: {  	[tilespmem:s31], [sflag:$0x5] =	stream.strided.gather [hbm4b:s2+s11], $0xC800, s12, s11, $0x38;
	[tilespmem:$0x14C00] =	vst v63  }
0x15: {  	_ =	swait.ge [sflag:s13], $0xC800  }
0x16: {  	[sflag:s13] =	ssyncset.done $0x0  }
0x17: {  	[sflag:s13] =	ssyncadd.s32 $0xFFFF3800  }
0x18: {  	[tilespmem:s15], [sflag:$0x1] =	stream.indirect.gather [hbm4b:s5+s14], $0x40, s31, s14, $0xb8;
	[tilespmem:$0x14C00] =	vst v63  }
0x19: {  	_ = 	snop  }
0x1a: {  	[tilespmem:s16], [sflag:$0x2] =	stream.indirect.gather [hbm4b:s5+s14], $0x40, s14, s14, $0xb8;
	[tilespmem:$0x14C00] =	vst v63  }
0x1b: {  	_ =	swait.ge [sflag:s17], $0x2000  }
0x1c: {  	[sflag:s17] =	ssyncset.done $0x0  }
0x1d: {  	s26 =	simm.s32 $0xC900;
	[sflag:s17] =	ssyncadd.s32 $0xFFFFE000  }
0x1e: {  	v33 =	vadd.s32 s31, v0;
	v32 =	vld [tilespmem:s26+$0xFFFFFF00]  }
0x1f: {  	v35 =	vadd.s32 s31, v1;
	v34 =	vld [tilespmem:s26+$0xFFFFFF10]  }
0x20: {  	v37 =	vadd.s32 s31, v2;
	v36 =	vld [tilespmem:s26+$0xFFFFFF20]  }
0x21: {  	v39 =	vadd.s32 s31, v3;
	v38 =	vld [tilespmem:s26+$0xFFFFFF30];
	_ =	sdelay $0x1  }
0x22: {  	[tilespmem:v33+s18+$0x0] =	vst.idx.msk $0xffff, v32  }
0x23: {  	[tilespmem:v35+s18+$0x0] =	vst.idx.msk $0xffff, v34  }
0x24: {  	[tilespmem:v37+s18+$0x0] =	vst.idx.msk $0xffff, v36  }
0x25: {  	[tilespmem:v39+s18+$0x0] =	vst.idx.msk $0xffff, v38  }
0x26: {  	v59 =	vadd.s32 s31, v4;
	v32 =	vld [tilespmem:s26+$0xFFFFFF40]  }
0x27: {  	v60 =	vadd.s32 s31, v5;
	v34 =	vld [tilespmem:s26+$0xFFFFFF50]  }
0x28: {  	v61 =	vadd.s32 s31, v6;
	v36 =	vld [tilespmem:s26+$0xFFFFFF60]  }
0x29: {  	v62 =	vadd.s32 s31, v7;
	v38 =	vld [tilespmem:s26+$0xFFFFFF70];
	_ =	sdelay $0x1  }
0x2a: {  	[tilespmem:v59+s18+$0x0] =	vst.idx.msk $0xffff, v32  }
0x2b: {  	[tilespmem:v60+s18+$0x0] =	vst.idx.msk $0xffff, v34  }
0x2c: {  	[tilespmem:v61+s18+$0x0] =	vst.idx.msk $0xffff, v36  }
0x2d: {  	[tilespmem:v62+s18+$0x0] =	vst.idx.msk $0xffff, v38  }
0x2e: {  	v63 =	vadd.s32 s31, v8;
	v32 =	vld [tilespmem:s26+$0xFFFFFF80]  }
0x2f: {  	v42 =	vadd.s32 s31, v9;
	v34 =	vld [tilespmem:s26+$0xFFFFFF90]  }
0x30: {  	v43 =	vadd.s32 s31, v10;
	v36 =	vld [tilespmem:s26+$0xFFFFFFA0]  }
0x31: {  	v44 =	vadd.s32 s31, v11;
	v38 =	vld [tilespmem:s26+$0xFFFFFFB0];
	_ =	sdelay $0x1  }
0x32: {  	[tilespmem:v63+s18+$0x0] =	vst.idx.msk $0xffff, v32  }
0x33: {  	[tilespmem:v42+s18+$0x0] =	vst.idx.msk $0xffff, v34  }
0x34: {  	[tilespmem:v43+s18+$0x0] =	vst.idx.msk $0xffff, v36  }
0x35: {  	[tilespmem:v44+s18+$0x0] =	vst.idx.msk $0xffff, v38  }
0x36: {  	v45 =	vadd.s32 s31, v12;
	v32 =	vld [tilespmem:s26+$0xFFFFFFC0]  }
0x37: {  	v46 =	vadd.s32 s31, v13;
	v34 =	vld [tilespmem:s26+$0xFFFFFFD0]  }
0x38: {  	v47 =	vadd.s32 s31, v14;
	v36 =	vld [tilespmem:s26+$0xFFFFFFE0]  }
0x39: {  	v48 =	vadd.s32 s31, v15;
	v38 =	vld [tilespmem:s26+$0xFFFFFFF0];
	_ =	sdelay $0x1  }
0x3a: {  	[tilespmem:v45+s18+$0x0] =	vst.idx.msk $0xffff, v32  }
0x3b: {  	[tilespmem:v46+s18+$0x0] =	vst.idx.msk $0xffff, v34  }
0x3c: {  	[tilespmem:v47+s18+$0x0] =	vst.idx.msk $0xffff, v36  }
0x3d: {  	[tilespmem:v48+s18+$0x0] =	vst.idx.msk $0xffff, v38  }
0x3e: {  	v49 =	vadd.s32 s31, v16;
	v32 =	vld [tilespmem:s26+$0x0]  }
0x3f: {  	v50 =	vadd.s32 s31, v17;
	v34 =	vld [tilespmem:s26+$0x10]  }
0x40: {  	v51 =	vadd.s32 s31, v18;
	v36 =	vld [tilespmem:s26+$0x20]  }
0x41: {  	v52 =	vadd.s32 s31, v19;
	v38 =	vld [tilespmem:s26+$0x30];
	_ =	sdelay $0x1  }
0x42: {  	[tilespmem:v49+s18+$0x0] =	vst.idx.msk $0xffff, v32  }
0x43: {  	[tilespmem:v50+s18+$0x0] =	vst.idx.msk $0xffff, v34  }
0x44: {  	[tilespmem:v51+s18+$0x0] =	vst.idx.msk $0xffff, v36  }
0x45: {  	[tilespmem:v52+s18+$0x0] =	vst.idx.msk $0xffff, v38  }
0x46: {  	v53 =	vadd.s32 s31, v20;
	v32 =	vld [tilespmem:s26+$0x40]  }
0x47: {  	v54 =	vadd.s32 s31, v21;
	v34 =	vld [tilespmem:s26+$0x50]  }
0x48: {  	v55 =	vadd.s32 s31, v22;
	v36 =	vld [tilespmem:s26+$0x60]  }
0x49: {  	v56 =	vadd.s32 s31, v23;
	v38 =	vld [tilespmem:s26+$0x70];
	_ =	sdelay $0x1  }
0x4a: {  	[tilespmem:v53+s18+$0x0] =	vst.idx.msk $0xffff, v32  }
0x4b: {  	[tilespmem:v54+s18+$0x0] =	vst.idx.msk $0xffff, v34  }
0x4c: {  	[tilespmem:v55+s18+$0x0] =	vst.idx.msk $0xffff, v36  }
0x4d: {  	[tilespmem:v56+s18+$0x0] =	vst.idx.msk $0xffff, v38  }
0x4e: {  	v57 =	vadd.s32 s31, v24;
	v32 =	vld [tilespmem:s26+$0x80]  }
0x4f: {  	v58 =	vadd.s32 s31, v25;
	v34 =	vld [tilespmem:s26+$0x90]  }
0x50: {  	v59 =	vadd.s32 s31, v26;
	v36 =	vld [tilespmem:s26+$0xA0]  }
0x51: {  	v60 =	vadd.s32 s31, v27;
	v38 =	vld [tilespmem:s26+$0xB0];
	_ =	sdelay $0x1  }
0x52: {  	[tilespmem:v57+s18+$0x0] =	vst.idx.msk $0xffff, v32  }
0x53: {  	[tilespmem:v58+s18+$0x0] =	vst.idx.msk $0xffff, v34  }
0x54: {  	[tilespmem:v59+s18+$0x0] =	vst.idx.msk $0xffff, v36  }
0x55: {  	[tilespmem:v60+s18+$0x0] =	vst.idx.msk $0xffff, v38  }
0x56: {  	v61 =	vadd.s32 s31, v28;
	v33 =	vld [tilespmem:s26+$0xC0];
	_ =	sdelay $0x1  }
0x57: {  	v62 =	vadd.s32 s31, v29;
	v35 =	vld [tilespmem:s26+$0xD0]  }
0x58: {  	v63 =	vadd.s32 s31, v30;
	v37 =	vld [tilespmem:s26+$0xE0];
	_ =	sdelay $0x1  }
0x59: {  	v32 =	vld [tilespmem:s26+$0xF0];
	[tilespmem:v61+s18+$0x0] =	vst.idx.msk $0xffff, v33;
	v33 =	vadd.s32 s31, v31;
	_ =	sdelay $0x1  }
0x5a: {  	[tilespmem:v62+s18+$0x0] =	vst.idx.msk $0xffff, v35  }
0x5b: {  	p0 =	por p1, p1;
	s28 =	simm.s32 $0x8;
	[tilespmem:v63+s18+$0x0] =	vst.idx.msk $0xffff, v37  }
.LBB2_3:
0x5c: {  	p1 =	sne.s32 s28, $0x78  }
0x5d: {  	[tilespmem:v33+s18+$0x0] =	vst.idx.msk $0xffff, v32;
	s26 =	sadd.s32 $0x200, s26;
	s0 =	smov.u32 s28;
	s28 =	sadd.s32 $0x8, s28  }
0x5e: {  	v32 =	vld [tilespmem:s26+$0xFFFFFF00];
	v33 =	vadd.s32 s0, v0  }
0x5f: {  	v35 =	vadd.s32 s0, v1;
	v34 =	vld [tilespmem:s26+$0xFFFFFF10]  }
0x60: {  	v37 =	vadd.s32 s0, v2;
	v36 =	vld [tilespmem:s26+$0xFFFFFF20]  }
0x61: {  	v39 =	vadd.s32 s0, v3;
	v38 =	vld [tilespmem:s26+$0xFFFFFF30];
	_ =	sdelay $0x1  }
0x62: {  	[tilespmem:v33+s18+$0x0] =	vst.idx.msk $0xffff, v32  }
0x63: {  	[tilespmem:v35+s18+$0x0] =	vst.idx.msk $0xffff, v34  }
0x64: {  	[tilespmem:v37+s18+$0x0] =	vst.idx.msk $0xffff, v36  }
0x65: {  	[tilespmem:v39+s18+$0x0] =	vst.idx.msk $0xffff, v38  }
0x66: {  	v33 =	vadd.s32 s0, v4;
	v32 =	vld [tilespmem:s26+$0xFFFFFF40]  }
0x67: {  	v35 =	vadd.s32 s0, v5;
	v34 =	vld [tilespmem:s26+$0xFFFFFF50]  }
0x68: {  	v37 =	vadd.s32 s0, v6;
	v36 =	vld [tilespmem:s26+$0xFFFFFF60]  }
0x69: {  	v39 =	vadd.s32 s0, v7;
	v38 =	vld [tilespmem:s26+$0xFFFFFF70];
	_ =	sdelay $0x1  }
0x6a: {  	[tilespmem:v33+s18+$0x0] =	vst.idx.msk $0xffff, v32  }
0x6b: {  	[tilespmem:v35+s18+$0x0] =	vst.idx.msk $0xffff, v34  }
0x6c: {  	[tilespmem:v37+s18+$0x0] =	vst.idx.msk $0xffff, v36  }
0x6d: {  	[tilespmem:v39+s18+$0x0] =	vst.idx.msk $0xffff, v38  }
0x6e: {  	v33 =	vadd.s32 s0, v8;
	v32 =	vld [tilespmem:s26+$0xFFFFFF80]  }
0x6f: {  	v35 =	vadd.s32 s0, v9;
	v34 =	vld [tilespmem:s26+$0xFFFFFF90]  }
0x70: {  	v37 =	vadd.s32 s0, v10;
	v36 =	vld [tilespmem:s26+$0xFFFFFFA0]  }
0x71: {  	v39 =	vadd.s32 s0, v11;
	v38 =	vld [tilespmem:s26+$0xFFFFFFB0];
	_ =	sdelay $0x1  }
0x72: {  	[tilespmem:v33+s18+$0x0] =	vst.idx.msk $0xffff, v32  }
0x73: {  	[tilespmem:v35+s18+$0x0] =	vst.idx.msk $0xffff, v34  }
0x74: {  	[tilespmem:v37+s18+$0x0] =	vst.idx.msk $0xffff, v36  }
0x75: {  	[tilespmem:v39+s18+$0x0] =	vst.idx.msk $0xffff, v38  }
0x76: {  	v33 =	vadd.s32 s0, v12;
	v32 =	vld [tilespmem:s26+$0xFFFFFFC0]  }
0x77: {  	v35 =	vadd.s32 s0, v13;
	v34 =	vld [tilespmem:s26+$0xFFFFFFD0]  }
0x78: {  	v37 =	vadd.s32 s0, v14;
	v36 =	vld [tilespmem:s26+$0xFFFFFFE0]  }
0x79: {  	v39 =	vadd.s32 s0, v15;
	v38 =	vld [tilespmem:s26+$0xFFFFFFF0];
	_ =	sdelay $0x1  }
0x7a: {  	[tilespmem:v33+s18+$0x0] =	vst.idx.msk $0xffff, v32  }
0x7b: {  	[tilespmem:v35+s18+$0x0] =	vst.idx.msk $0xffff, v34  }
0x7c: {  	[tilespmem:v37+s18+$0x0] =	vst.idx.msk $0xffff, v36  }
0x7d: {  	[tilespmem:v39+s18+$0x0] =	vst.idx.msk $0xffff, v38  }
0x7e: {  	v33 =	vadd.s32 s0, v16;
	v32 =	vld [tilespmem:s26+$0x0]  }
0x7f: {  	v35 =	vadd.s32 s0, v17;
	v34 =	vld [tilespmem:s26+$0x10]  }
0x80: {  	v37 =	vadd.s32 s0, v18;
	v36 =	vld [tilespmem:s26+$0x20]  }
0x81: {  	v39 =	vadd.s32 s0, v19;
	v38 =	vld [tilespmem:s26+$0x30];
	_ =	sdelay $0x1  }
0x82: {  	[tilespmem:v33+s18+$0x0] =	vst.idx.msk $0xffff, v32  }
0x83: {  	[tilespmem:v35+s18+$0x0] =	vst.idx.msk $0xffff, v34  }
0x84: {  	[tilespmem:v37+s18+$0x0] =	vst.idx.msk $0xffff, v36  }
0x85: {  	[tilespmem:v39+s18+$0x0] =	vst.idx.msk $0xffff, v38  }
0x86: {  	v33 =	vadd.s32 s0, v20;
	v32 =	vld [tilespmem:s26+$0x40]  }
0x87: {  	v35 =	vadd.s32 s0, v21;
	v34 =	vld [tilespmem:s26+$0x50]  }
0x88: {  	v37 =	vadd.s32 s0, v22;
	v36 =	vld [tilespmem:s26+$0x60]  }
0x89: {  	v39 =	vadd.s32 s0, v23;
	v38 =	vld [tilespmem:s26+$0x70];
	_ =	sdelay $0x1  }
0x8a: {  	[tilespmem:v33+s18+$0x0] =	vst.idx.msk $0xffff, v32  }
0x8b: {  	[tilespmem:v35+s18+$0x0] =	vst.idx.msk $0xffff, v34  }
0x8c: {  	[tilespmem:v37+s18+$0x0] =	vst.idx.msk $0xffff, v36  }
0x8d: {  	[tilespmem:v39+s18+$0x0] =	vst.idx.msk $0xffff, v38  }
0x8e: {  	v33 =	vadd.s32 s0, v24;
	v32 =	vld [tilespmem:s26+$0x80]  }
0x8f: {  	v35 =	vadd.s32 s0, v25;
	v34 =	vld [tilespmem:s26+$0x90]  }
0x90: {  	v37 =	vadd.s32 s0, v26;
	v36 =	vld [tilespmem:s26+$0xA0]  }
0x91: {  	v39 =	vadd.s32 s0, v27;
	v38 =	vld [tilespmem:s26+$0xB0];
	_ =	sdelay $0x1  }
0x92: {  	[tilespmem:v33+s18+$0x0] =	vst.idx.msk $0xffff, v32  }
0x93: {  	[tilespmem:v35+s18+$0x0] =	vst.idx.msk $0xffff, v34  }
0x94: {  	[tilespmem:v37+s18+$0x0] =	vst.idx.msk $0xffff, v36  }
0x95: {  	[tilespmem:v39+s18+$0x0] =	vst.idx.msk $0xffff, v38  }
0x96: {  	v35 =	vadd.s32 s0, v28;
	v34 =	vld [tilespmem:s26+$0xC0]  }
0x97: {  	v37 =	vadd.s32 s0, v29;
	v36 =	vld [tilespmem:s26+$0xD0]  }
0x98: {  	v39 =	vadd.s32 s0, v30;
	v38 =	vld [tilespmem:s26+$0xE0]  }
.Ltmp0:
0x99: {  	v33 =	vadd.s32 s0, v31;
	v32 =	vld [tilespmem:s26+$0xF0];
	(pc) =	sbr.rel @p1 .LBB2_3-.Ltmp0, $4  }
0x9a: {  	_ = 	snop  }
0x9b: {  	[tilespmem:v35+s18+$0x0] =	vst.idx.msk $0xffff, v34  }
0x9c: {  	[tilespmem:v37+s18+$0x0] =	vst.idx.msk $0xffff, v36  }
0x9d: {  	[tilespmem:v39+s18+$0x0] =	vst.idx.msk $0xffff, v38  }
0x9e: {  	s26 =	smul.u32 $0x6400000, s25;
	_ =	sdelay $0x1  }
0x9f: {  	s0 =	sor.u32 s6, s26  }
0xa0: {  	s0 =	sshrl.u32 s0, $0x3  }
0xa1: {  	[tilespmem:v33+s18+$0x0] =	vst.idx.msk $0xffff, v32;
	s24 =	simm.s32 $0x10800;
	s2 =	sadd.s32 s1, s0  }
0xa2: {  	[hbm4b:s2+s3] =	stream.linear.scatter [tilespmem:s24], [sflag:$0x3], $0x80, $0x38;
	[tilespmem:$0x14C00] =	vst v63  }
0xa3: {  	s31 =	simm.s32 $0x10888;
	s10 =	sadd.s32 $0x10, s2  }
0xa4: {  	[hbm4b:s10+s3] =	stream.linear.scatter [tilespmem:s31], [sflag:$0x3], $0x80, $0x38;
	[tilespmem:$0x14C00] =	vst v63  }
0xa5: {  	s28 =	simm.s32 $0x2200;
	s24 =	simm.s32 $0x10910;
	s31 =	sadd.s32 $0x20, s2  }
0xa6: {  	[hbm4b:s31+s3] =	stream.linear.scatter [tilespmem:s24], [sflag:$0x3], $0x80, $0x38;
	[tilespmem:$0x14C00] =	vst v63  }
0xa7: {  	s29 =	simm.s32 $0x10BB8;
	s24 =	simm.s32 $0x10998;
	s31 =	sadd.s32 $0x30, s2  }
0xa8: {  	[hbm4b:s31+s3] =	stream.linear.scatter [tilespmem:s24], [sflag:$0x3], $0x80, $0x38;
	[tilespmem:$0x14C00] =	vst v63  }
0xa9: {  	s0 =	simm.s32 $0x440;
	s24 =	simm.s32 $0x10A20;
	s31 =	sadd.s32 $0x40, s2  }
0xaa: {  	[hbm4b:s31+s3] =	stream.linear.scatter [tilespmem:s24], [sflag:$0x3], $0x80, $0x38;
	[tilespmem:$0x14C00] =	vst v63  }
0xab: {  	s30 =	sadd.s32 $0x70, s2;
	s24 =	simm.s32 $0x10AA8;
	s31 =	sadd.s32 $0x50, s2  }
0xac: {  	[hbm4b:s31+s3] =	stream.linear.scatter [tilespmem:s24], [sflag:$0x3], $0x80, $0x38;
	[tilespmem:$0x14C00] =	vst v63  }
0xad: {  	s24 =	simm.s32 $0x10B30;
	s31 =	sadd.s32 $0x60, s2;
	s2 =	sadd.s32 $0x4000, s2  }
0xae: {  	[hbm4b:s31+s3] =	stream.linear.scatter [tilespmem:s24], [sflag:$0x3], $0x80, $0x38;
	[tilespmem:$0x14C00] =	vst v63  }
.LBB2_5:
0xaf: {  	[hbm4b:s30+s3] =	stream.linear.scatter [tilespmem:s29], [sflag:$0x3], $0x80, $0x38;
	[tilespmem:$0x14C00] =	vst v63  }
0xb0: {  	s10 =	smov.u32 s0;
	s0 =	smov.u32 s28  }
0xb1: {  	s31 =	sadd.s32 $0x1100, s28;
	s0 =	sshra.s32 s0, $0x2;
	s29 =	sadd.s32 $0x10800, s10  }
0xb2: {  	[hbm4b:s2+s3] =	stream.linear.scatter [tilespmem:s29], [sflag:$0x3], $0x80, $0x38;
	[tilespmem:$0x14C00] =	vst v63  }
0xb3: {  	p1 =	sne.s32 s28, $0x7700;
	s28 =	sadd.s32 $0x10888, s10;
	s29 =	sadd.s32 $0x10, s2  }
0xb4: {  	[hbm4b:s29+s3] =	stream.linear.scatter [tilespmem:s28], [sflag:$0x3], $0x80, $0x38;
	[tilespmem:$0x14C00] =	vst v63  }
0xb5: {  	s28 =	sadd.s32 $0x10910, s10;
	s29 =	sadd.s32 $0x20, s2  }
0xb6: {  	[hbm4b:s29+s3] =	stream.linear.scatter [tilespmem:s28], [sflag:$0x3], $0x80, $0x38;
	[tilespmem:$0x14C00] =	vst v63  }
0xb7: {  	s28 =	sadd.s32 $0x10998, s10;
	s29 =	sadd.s32 $0x30, s2  }
0xb8: {  	[hbm4b:s29+s3] =	stream.linear.scatter [tilespmem:s28], [sflag:$0x3], $0x80, $0x38;
	[tilespmem:$0x14C00] =	vst v63  }
0xb9: {  	s28 =	sadd.s32 $0x10A20, s10;
	s29 =	sadd.s32 $0x40, s2  }
0xba: {  	[hbm4b:s29+s3] =	stream.linear.scatter [tilespmem:s28], [sflag:$0x3], $0x80, $0x38;
	[tilespmem:$0x14C00] =	vst v63  }
.Ltmp1:
0xbb: {  	s28 =	sadd.s32 $0x10AA8, s10;
	s29 =	sadd.s32 $0x50, s2;
	(pc) =	sbr.rel @p1 .LBB2_5-.Ltmp1, $4  }
0xbc: {  	[hbm4b:s29+s3] =	stream.linear.scatter [tilespmem:s28], [sflag:$0x3], $0x80, $0x38;
	[tilespmem:$0x14C00] =	vst v63  }
0xbd: {  	s30 =	sadd.s32 $0x70, s2;
	s28 =	sadd.s32 $0x10B30, s10;
	s29 =	sadd.s32 $0x60, s2  }
0xbe: {  	[hbm4b:s29+s3] =	stream.linear.scatter [tilespmem:s28], [sflag:$0x3], $0x80, $0x38;
	[tilespmem:$0x14C00] =	vst v63  }
0xbf: {  	s2 =	sadd.s32 $0x4000, s2;
	s29 =	sadd.s32 $0x10BB8, s10;
	s28 =	smov.u32 s31  }
0xc0: {  	[hbm4b:s30+s3] =	stream.linear.scatter [tilespmem:s29], [sflag:$0x3], $0x80, $0x38;
	[tilespmem:$0x14C00] =	vst v63  }
0xc1: {  	s10 =	sadd.s32 $0x10800, s0  }
0xc2: {  	[hbm4b:s2+s3] =	stream.linear.scatter [tilespmem:s10], [sflag:$0x3], $0x80, $0x38;
	[tilespmem:$0x14C00] =	vst v63  }
0xc3: {  	s24 =	sadd.s32 $0x10888, s0;
	s28 =	sadd.s32 $0x10, s2  }
0xc4: {  	[hbm4b:s28+s3] =	stream.linear.scatter [tilespmem:s24], [sflag:$0x3], $0x80, $0x38;
	[tilespmem:$0x14C00] =	vst v63  }
0xc5: {  	s30 =	sadd.s32 $0x10910, s0;
	s28 =	sadd.s32 $0x20, s2  }
0xc6: {  	[hbm4b:s28+s3] =	stream.linear.scatter [tilespmem:s30], [sflag:$0x3], $0x80, $0x38;
	[tilespmem:$0x14C00] =	vst v63  }
0xc7: {  	s31 =	sadd.s32 $0x10998, s0;
	s28 =	sadd.s32 $0x30, s2  }
0xc8: {  	[hbm4b:s28+s3] =	stream.linear.scatter [tilespmem:s31], [sflag:$0x3], $0x80, $0x38;
	[tilespmem:$0x14C00] =	vst v63  }
0xc9: {  	s24 =	sadd.s32 $0x10A20, s0;
	s28 =	sadd.s32 $0x40, s2  }
0xca: {  	[hbm4b:s28+s3] =	stream.linear.scatter [tilespmem:s24], [sflag:$0x3], $0x80, $0x38;
	[tilespmem:$0x14C00] =	vst v63  }
0xcb: {  	s30 =	sadd.s32 $0x10AA8, s0;
	s28 =	sadd.s32 $0x50, s2  }
0xcc: {  	[hbm4b:s28+s3] =	stream.linear.scatter [tilespmem:s30], [sflag:$0x3], $0x80, $0x38;
	[tilespmem:$0x14C00] =	vst v63  }
0xcd: {  	s31 =	sadd.s32 $0x10B30, s0;
	s28 =	sadd.s32 $0x60, s2  }
0xce: {  	[hbm4b:s28+s3] =	stream.linear.scatter [tilespmem:s31], [sflag:$0x3], $0x80, $0x38;
	[tilespmem:$0x14C00] =	vst v63  }
0xcf: {  	s24 =	sadd.s32 $0x10BB8, s0;
	s30 =	sadd.s32 $0x70, s2  }
0xd0: {  	[hbm4b:s30+s3] =	stream.linear.scatter [tilespmem:s24], [sflag:$0x3], $0x80, $0x38;
	[tilespmem:$0x14C00] =	vst v63  }
0xd1: {  	_ = 	snop  }
0xd2: {  	[tilespmem:s15], [sflag:$0x1] =	stream.indirect.gather [hbm4b:s5+s14], $0x40, s19, s14, $0xb8;
	[tilespmem:$0x14C00] =	vst v63  }
0xd3: {  	_ =	swait.ge [sflag:s20], $0x2000  }
0xd4: {  	[sflag:s20] =	ssyncset.done $0x0  }
0xd5: {  	s31 =	simm.s32 $0x0;
	s28 =	simm.s32 $0xE900;
	[sflag:s20] =	ssyncadd.s32 $0xFFFFE000  }
0xd6: {  	v33 =	vadd.s32 s31, v0;
	v32 =	vld [tilespmem:s28+$0xFFFFFF00]  }
0xd7: {  	v35 =	vadd.s32 s31, v1;
	v34 =	vld [tilespmem:s28+$0xFFFFFF10]  }
0xd8: {  	v37 =	vadd.s32 s31, v2;
	v36 =	vld [tilespmem:s28+$0xFFFFFF20]  }
0xd9: {  	v39 =	vadd.s32 s31, v3;
	v38 =	vld [tilespmem:s28+$0xFFFFFF30];
	_ =	sdelay $0x1  }
0xda: {  	[tilespmem:v33+s21+$0x0] =	vst.idx.msk $0xffff, v32  }
0xdb: {  	[tilespmem:v35+s21+$0x0] =	vst.idx.msk $0xffff, v34  }
0xdc: {  	[tilespmem:v37+s21+$0x0] =	vst.idx.msk $0xffff, v36  }
0xdd: {  	[tilespmem:v39+s21+$0x0] =	vst.idx.msk $0xffff, v38  }
0xde: {  	v59 =	vadd.s32 s31, v4;
	v32 =	vld [tilespmem:s28+$0xFFFFFF40]  }
0xdf: {  	v60 =	vadd.s32 s31, v5;
	v34 =	vld [tilespmem:s28+$0xFFFFFF50]  }
0xe0: {  	v61 =	vadd.s32 s31, v6;
	v36 =	vld [tilespmem:s28+$0xFFFFFF60]  }
0xe1: {  	v62 =	vadd.s32 s31, v7;
	v38 =	vld [tilespmem:s28+$0xFFFFFF70];
	_ =	sdelay $0x1  }
0xe2: {  	[tilespmem:v59+s21+$0x0] =	vst.idx.msk $0xffff, v32  }
0xe3: {  	[tilespmem:v60+s21+$0x0] =	vst.idx.msk $0xffff, v34  }
0xe4: {  	[tilespmem:v61+s21+$0x0] =	vst.idx.msk $0xffff, v36  }
0xe5: {  	[tilespmem:v62+s21+$0x0] =	vst.idx.msk $0xffff, v38  }
0xe6: {  	v63 =	vadd.s32 s31, v8;
	v32 =	vld [tilespmem:s28+$0xFFFFFF80]  }
0xe7: {  	v42 =	vadd.s32 s31, v9;
	v34 =	vld [tilespmem:s28+$0xFFFFFF90]  }
0xe8: {  	v43 =	vadd.s32 s31, v10;
	v36 =	vld [tilespmem:s28+$0xFFFFFFA0]  }
0xe9: {  	v44 =	vadd.s32 s31, v11;
	v38 =	vld [tilespmem:s28+$0xFFFFFFB0];
	_ =	sdelay $0x1  }
0xea: {  	[tilespmem:v63+s21+$0x0] =	vst.idx.msk $0xffff, v32  }
0xeb: {  	[tilespmem:v42+s21+$0x0] =	vst.idx.msk $0xffff, v34  }
0xec: {  	[tilespmem:v43+s21+$0x0] =	vst.idx.msk $0xffff, v36  }
0xed: {  	[tilespmem:v44+s21+$0x0] =	vst.idx.msk $0xffff, v38  }
0xee: {  	v45 =	vadd.s32 s31, v12;
	v32 =	vld [tilespmem:s28+$0xFFFFFFC0]  }
0xef: {  	v46 =	vadd.s32 s31, v13;
	v34 =	vld [tilespmem:s28+$0xFFFFFFD0]  }
0xf0: {  	v47 =	vadd.s32 s31, v14;
	v36 =	vld [tilespmem:s28+$0xFFFFFFE0]  }
0xf1: {  	v48 =	vadd.s32 s31, v15;
	v38 =	vld [tilespmem:s28+$0xFFFFFFF0];
	_ =	sdelay $0x1  }
0xf2: {  	[tilespmem:v45+s21+$0x0] =	vst.idx.msk $0xffff, v32  }
0xf3: {  	[tilespmem:v46+s21+$0x0] =	vst.idx.msk $0xffff, v34  }
0xf4: {  	[tilespmem:v47+s21+$0x0] =	vst.idx.msk $0xffff, v36  }
0xf5: {  	[tilespmem:v48+s21+$0x0] =	vst.idx.msk $0xffff, v38  }
0xf6: {  	v49 =	vadd.s32 s31, v16;
	v32 =	vld [tilespmem:s28+$0x0]  }
0xf7: {  	v50 =	vadd.s32 s31, v17;
	v34 =	vld [tilespmem:s28+$0x10]  }
0xf8: {  	v51 =	vadd.s32 s31, v18;
	v36 =	vld [tilespmem:s28+$0x20]  }
0xf9: {  	v52 =	vadd.s32 s31, v19;
	v38 =	vld [tilespmem:s28+$0x30];
	_ =	sdelay $0x1  }
0xfa: {  	[tilespmem:v49+s21+$0x0] =	vst.idx.msk $0xffff, v32  }
0xfb: {  	[tilespmem:v50+s21+$0x0] =	vst.idx.msk $0xffff, v34  }
0xfc: {  	[tilespmem:v51+s21+$0x0] =	vst.idx.msk $0xffff, v36  }
0xfd: {  	[tilespmem:v52+s21+$0x0] =	vst.idx.msk $0xffff, v38  }
0xfe: {  	v53 =	vadd.s32 s31, v20;
	v32 =	vld [tilespmem:s28+$0x40]  }
0xff: {  	v54 =	vadd.s32 s31, v21;
	v34 =	vld [tilespmem:s28+$0x50]  }
0x100: {  	v55 =	vadd.s32 s31, v22;
	v36 =	vld [tilespmem:s28+$0x60]  }
0x101: {  	v56 =	vadd.s32 s31, v23;
	v38 =	vld [tilespmem:s28+$0x70];
	_ =	sdelay $0x1  }
0x102: {  	[tilespmem:v53+s21+$0x0] =	vst.idx.msk $0xffff, v32  }
0x103: {  	[tilespmem:v54+s21+$0x0] =	vst.idx.msk $0xffff, v34  }
0x104: {  	[tilespmem:v55+s21+$0x0] =	vst.idx.msk $0xffff, v36  }
0x105: {  	[tilespmem:v56+s21+$0x0] =	vst.idx.msk $0xffff, v38  }
0x106: {  	v57 =	vadd.s32 s31, v24;
	v32 =	vld [tilespmem:s28+$0x80]  }
0x107: {  	v58 =	vadd.s32 s31, v25;
	v34 =	vld [tilespmem:s28+$0x90]  }
0x108: {  	v59 =	vadd.s32 s31, v26;
	v36 =	vld [tilespmem:s28+$0xA0]  }
0x109: {  	v60 =	vadd.s32 s31, v27;
	v38 =	vld [tilespmem:s28+$0xB0];
	_ =	sdelay $0x1  }
0x10a: {  	[tilespmem:v57+s21+$0x0] =	vst.idx.msk $0xffff, v32  }
0x10b: {  	[tilespmem:v58+s21+$0x0] =	vst.idx.msk $0xffff, v34  }
0x10c: {  	[tilespmem:v59+s21+$0x0] =	vst.idx.msk $0xffff, v36  }
0x10d: {  	[tilespmem:v60+s21+$0x0] =	vst.idx.msk $0xffff, v38  }
0x10e: {  	v61 =	vadd.s32 s31, v28;
	v33 =	vld [tilespmem:s28+$0xC0];
	_ =	sdelay $0x1  }
0x10f: {  	v62 =	vadd.s32 s31, v29;
	v35 =	vld [tilespmem:s28+$0xD0]  }
0x110: {  	v63 =	vadd.s32 s31, v30;
	v37 =	vld [tilespmem:s28+$0xE0];
	_ =	sdelay $0x1  }
0x111: {  	v32 =	vld [tilespmem:s28+$0xF0];
	[tilespmem:v61+s21+$0x0] =	vst.idx.msk $0xffff, v33;
	v33 =	vadd.s32 s31, v31;
	_ =	sdelay $0x1  }
0x112: {  	[tilespmem:v62+s21+$0x0] =	vst.idx.msk $0xffff, v35  }
0x113: {  	s29 =	simm.s32 $0x8;
	[tilespmem:v63+s21+$0x0] =	vst.idx.msk $0xffff, v37  }
.LBB2_7:
0x114: {  	p1 =	sne.s32 s29, $0x78  }
0x115: {  	[tilespmem:v33+s21+$0x0] =	vst.idx.msk $0xffff, v32;
	s28 =	sadd.s32 $0x200, s28;
	s0 =	smov.u32 s29;
	s29 =	sadd.s32 $0x8, s29  }
0x116: {  	v32 =	vld [tilespmem:s28+$0xFFFFFF00];
	v33 =	vadd.s32 s0, v0  }
0x117: {  	v35 =	vadd.s32 s0, v1;
	v34 =	vld [tilespmem:s28+$0xFFFFFF10]  }
0x118: {  	v37 =	vadd.s32 s0, v2;
	v36 =	vld [tilespmem:s28+$0xFFFFFF20]  }
0x119: {  	v39 =	vadd.s32 s0, v3;
	v38 =	vld [tilespmem:s28+$0xFFFFFF30];
	_ =	sdelay $0x1  }
0x11a: {  	[tilespmem:v33+s21+$0x0] =	vst.idx.msk $0xffff, v32  }
0x11b: {  	[tilespmem:v35+s21+$0x0] =	vst.idx.msk $0xffff, v34  }
0x11c: {  	[tilespmem:v37+s21+$0x0] =	vst.idx.msk $0xffff, v36  }
0x11d: {  	[tilespmem:v39+s21+$0x0] =	vst.idx.msk $0xffff, v38  }
0x11e: {  	v33 =	vadd.s32 s0, v4;
	v32 =	vld [tilespmem:s28+$0xFFFFFF40]  }
0x11f: {  	v35 =	vadd.s32 s0, v5;
	v34 =	vld [tilespmem:s28+$0xFFFFFF50]  }
0x120: {  	v37 =	vadd.s32 s0, v6;
	v36 =	vld [tilespmem:s28+$0xFFFFFF60]  }
0x121: {  	v39 =	vadd.s32 s0, v7;
	v38 =	vld [tilespmem:s28+$0xFFFFFF70];
	_ =	sdelay $0x1  }
0x122: {  	[tilespmem:v33+s21+$0x0] =	vst.idx.msk $0xffff, v32  }
0x123: {  	[tilespmem:v35+s21+$0x0] =	vst.idx.msk $0xffff, v34  }
0x124: {  	[tilespmem:v37+s21+$0x0] =	vst.idx.msk $0xffff, v36  }
0x125: {  	[tilespmem:v39+s21+$0x0] =	vst.idx.msk $0xffff, v38  }
0x126: {  	v33 =	vadd.s32 s0, v8;
	v32 =	vld [tilespmem:s28+$0xFFFFFF80]  }
0x127: {  	v35 =	vadd.s32 s0, v9;
	v34 =	vld [tilespmem:s28+$0xFFFFFF90]  }
0x128: {  	v37 =	vadd.s32 s0, v10;
	v36 =	vld [tilespmem:s28+$0xFFFFFFA0]  }
0x129: {  	v39 =	vadd.s32 s0, v11;
	v38 =	vld [tilespmem:s28+$0xFFFFFFB0];
	_ =	sdelay $0x1  }
0x12a: {  	[tilespmem:v33+s21+$0x0] =	vst.idx.msk $0xffff, v32  }
0x12b: {  	[tilespmem:v35+s21+$0x0] =	vst.idx.msk $0xffff, v34  }
0x12c: {  	[tilespmem:v37+s21+$0x0] =	vst.idx.msk $0xffff, v36  }
0x12d: {  	[tilespmem:v39+s21+$0x0] =	vst.idx.msk $0xffff, v38  }
0x12e: {  	v33 =	vadd.s32 s0, v12;
	v32 =	vld [tilespmem:s28+$0xFFFFFFC0]  }
0x12f: {  	v35 =	vadd.s32 s0, v13;
	v34 =	vld [tilespmem:s28+$0xFFFFFFD0]  }
0x130: {  	v37 =	vadd.s32 s0, v14;
	v36 =	vld [tilespmem:s28+$0xFFFFFFE0]  }
0x131: {  	v39 =	vadd.s32 s0, v15;
	v38 =	vld [tilespmem:s28+$0xFFFFFFF0];
	_ =	sdelay $0x1  }
0x132: {  	[tilespmem:v33+s21+$0x0] =	vst.idx.msk $0xffff, v32  }
0x133: {  	[tilespmem:v35+s21+$0x0] =	vst.idx.msk $0xffff, v34  }
0x134: {  	[tilespmem:v37+s21+$0x0] =	vst.idx.msk $0xffff, v36  }
0x135: {  	[tilespmem:v39+s21+$0x0] =	vst.idx.msk $0xffff, v38  }
0x136: {  	v33 =	vadd.s32 s0, v16;
	v32 =	vld [tilespmem:s28+$0x0]  }
0x137: {  	v35 =	vadd.s32 s0, v17;
	v34 =	vld [tilespmem:s28+$0x10]  }
0x138: {  	v37 =	vadd.s32 s0, v18;
	v36 =	vld [tilespmem:s28+$0x20]  }
0x139: {  	v39 =	vadd.s32 s0, v19;
	v38 =	vld [tilespmem:s28+$0x30];
	_ =	sdelay $0x1  }
0x13a: {  	[tilespmem:v33+s21+$0x0] =	vst.idx.msk $0xffff, v32  }
0x13b: {  	[tilespmem:v35+s21+$0x0] =	vst.idx.msk $0xffff, v34  }
0x13c: {  	[tilespmem:v37+s21+$0x0] =	vst.idx.msk $0xffff, v36  }
0x13d: {  	[tilespmem:v39+s21+$0x0] =	vst.idx.msk $0xffff, v38  }
0x13e: {  	v33 =	vadd.s32 s0, v20;
	v32 =	vld [tilespmem:s28+$0x40]  }
0x13f: {  	v35 =	vadd.s32 s0, v21;
	v34 =	vld [tilespmem:s28+$0x50]  }
0x140: {  	v37 =	vadd.s32 s0, v22;
	v36 =	vld [tilespmem:s28+$0x60]  }
0x141: {  	v39 =	vadd.s32 s0, v23;
	v38 =	vld [tilespmem:s28+$0x70];
	_ =	sdelay $0x1  }
0x142: {  	[tilespmem:v33+s21+$0x0] =	vst.idx.msk $0xffff, v32  }
0x143: {  	[tilespmem:v35+s21+$0x0] =	vst.idx.msk $0xffff, v34  }
0x144: {  	[tilespmem:v37+s21+$0x0] =	vst.idx.msk $0xffff, v36  }
0x145: {  	[tilespmem:v39+s21+$0x0] =	vst.idx.msk $0xffff, v38  }
0x146: {  	v33 =	vadd.s32 s0, v24;
	v32 =	vld [tilespmem:s28+$0x80]  }
0x147: {  	v35 =	vadd.s32 s0, v25;
	v34 =	vld [tilespmem:s28+$0x90]  }
0x148: {  	v37 =	vadd.s32 s0, v26;
	v36 =	vld [tilespmem:s28+$0xA0]  }
0x149: {  	v39 =	vadd.s32 s0, v27;
	v38 =	vld [tilespmem:s28+$0xB0];
	_ =	sdelay $0x1  }
0x14a: {  	[tilespmem:v33+s21+$0x0] =	vst.idx.msk $0xffff, v32  }
0x14b: {  	[tilespmem:v35+s21+$0x0] =	vst.idx.msk $0xffff, v34  }
0x14c: {  	[tilespmem:v37+s21+$0x0] =	vst.idx.msk $0xffff, v36  }
0x14d: {  	[tilespmem:v39+s21+$0x0] =	vst.idx.msk $0xffff, v38  }
0x14e: {  	v35 =	vadd.s32 s0, v28;
	v34 =	vld [tilespmem:s28+$0xC0]  }
0x14f: {  	v37 =	vadd.s32 s0, v29;
	v36 =	vld [tilespmem:s28+$0xD0]  }
0x150: {  	v39 =	vadd.s32 s0, v30;
	v38 =	vld [tilespmem:s28+$0xE0]  }
.Ltmp2:
0x151: {  	v33 =	vadd.s32 s0, v31;
	v32 =	vld [tilespmem:s28+$0xF0];
	(pc) =	sbr.rel @p1 .LBB2_7-.Ltmp2, $4  }
0x152: {  	_ = 	snop  }
0x153: {  	[tilespmem:v35+s21+$0x0] =	vst.idx.msk $0xffff, v34  }
0x154: {  	[tilespmem:v37+s21+$0x0] =	vst.idx.msk $0xffff, v36  }
0x155: {  	[tilespmem:v39+s21+$0x0] =	vst.idx.msk $0xffff, v38  }
0x156: {  	_ =	sdelay $0x1  }
0x157: {  	s0 =	sor.u32 s9, s26  }
0x158: {  	s0 =	sshrl.u32 s0, $0x3  }
0x159: {  	[tilespmem:v33+s21+$0x0] =	vst.idx.msk $0xffff, v32;
	s24 =	simm.s32 $0x12A00;
	s2 =	sadd.s32 s1, s0  }
0x15a: {  	[hbm4b:s2+s3] =	stream.linear.scatter [tilespmem:s24], [sflag:$0x4], $0x80, $0x38;
	[tilespmem:$0x14C00] =	vst v63  }
0x15b: {  	s26 =	simm.s32 $0x12A88;
	s10 =	sadd.s32 $0x10, s2  }
0x15c: {  	[hbm4b:s10+s3] =	stream.linear.scatter [tilespmem:s26], [sflag:$0x4], $0x80, $0x38;
	[tilespmem:$0x14C00] =	vst v63  }
0x15d: {  	s30 =	simm.s32 $0x12B10;
	s28 =	simm.s32 $0x12DB8;
	s31 =	sadd.s32 $0x20, s2  }
0x15e: {  	[hbm4b:s31+s3] =	stream.linear.scatter [tilespmem:s30], [sflag:$0x4], $0x80, $0x38;
	[tilespmem:$0x14C00] =	vst v63  }
0x15f: {  	s0 =	simm.s32 $0x440;
	s24 =	simm.s32 $0x12B98;
	s26 =	sadd.s32 $0x30, s2  }
0x160: {  	[hbm4b:s26+s3] =	stream.linear.scatter [tilespmem:s24], [sflag:$0x4], $0x80, $0x38;
	[tilespmem:$0x14C00] =	vst v63  }
0x161: {  	s29 =	sadd.s32 $0x70, s2;
	s30 =	simm.s32 $0x12C20;
	s31 =	sadd.s32 $0x40, s2  }
0x162: {  	[hbm4b:s31+s3] =	stream.linear.scatter [tilespmem:s30], [sflag:$0x4], $0x80, $0x38;
	[tilespmem:$0x14C00] =	vst v63  }
0x163: {  	s24 =	simm.s32 $0x12CA8;
	s26 =	sadd.s32 $0x50, s2;
	s30 =	simm.s32 $0x12D30  }
0x164: {  	[hbm4b:s26+s3] =	stream.linear.scatter [tilespmem:s24], [sflag:$0x4], $0x80, $0x38;
	[tilespmem:$0x14C00] =	vst v63  }
0x165: {  	s31 =	sadd.s32 $0x60, s2;
	s2 =	sadd.s32 $0x4000, s2;
	s26 =	simm.s32 $0x2200  }
0x166: {  	[hbm4b:s31+s3] =	stream.linear.scatter [tilespmem:s30], [sflag:$0x4], $0x80, $0x38;
	[tilespmem:$0x14C00] =	vst v63  }
.LBB2_9:
0x167: {  	[hbm4b:s29+s3] =	stream.linear.scatter [tilespmem:s28], [sflag:$0x4], $0x80, $0x38;
	[tilespmem:$0x14C00] =	vst v63  }
0x168: {  	s10 =	smov.u32 s0;
	s0 =	smov.u32 s26  }
0x169: {  	s30 =	sadd.s32 $0x1100, s26;
	s0 =	sshra.s32 s0, $0x2;
	s28 =	sadd.s32 $0x12A00, s10  }
0x16a: {  	[hbm4b:s2+s3] =	stream.linear.scatter [tilespmem:s28], [sflag:$0x4], $0x80, $0x38;
	[tilespmem:$0x14C00] =	vst v63  }
0x16b: {  	p1 =	sne.s32 s26, $0x7700;
	s26 =	sadd.s32 $0x12A88, s10;
	s28 =	sadd.s32 $0x10, s2  }
0x16c: {  	[hbm4b:s28+s3] =	stream.linear.scatter [tilespmem:s26], [sflag:$0x4], $0x80, $0x38;
	[tilespmem:$0x14C00] =	vst v63  }
0x16d: {  	s26 =	sadd.s32 $0x12B10, s10;
	s28 =	sadd.s32 $0x20, s2  }
0x16e: {  	[hbm4b:s28+s3] =	stream.linear.scatter [tilespmem:s26], [sflag:$0x4], $0x80, $0x38;
	[tilespmem:$0x14C00] =	vst v63  }
0x16f: {  	s26 =	sadd.s32 $0x12B98, s10;
	s28 =	sadd.s32 $0x30, s2  }
0x170: {  	[hbm4b:s28+s3] =	stream.linear.scatter [tilespmem:s26], [sflag:$0x4], $0x80, $0x38;
	[tilespmem:$0x14C00] =	vst v63  }
0x171: {  	s26 =	sadd.s32 $0x12C20, s10;
	s28 =	sadd.s32 $0x40, s2  }
0x172: {  	[hbm4b:s28+s3] =	stream.linear.scatter [tilespmem:s26], [sflag:$0x4], $0x80, $0x38;
	[tilespmem:$0x14C00] =	vst v63  }
.Ltmp3:
0x173: {  	s26 =	sadd.s32 $0x12CA8, s10;
	s28 =	sadd.s32 $0x50, s2;
	(pc) =	sbr.rel @p1 .LBB2_9-.Ltmp3, $4  }
0x174: {  	[hbm4b:s28+s3] =	stream.linear.scatter [tilespmem:s26], [sflag:$0x4], $0x80, $0x38;
	[tilespmem:$0x14C00] =	vst v63  }
0x175: {  	s29 =	sadd.s32 $0x70, s2;
	s26 =	sadd.s32 $0x12D30, s10;
	s28 =	sadd.s32 $0x60, s2  }
0x176: {  	[hbm4b:s28+s3] =	stream.linear.scatter [tilespmem:s26], [sflag:$0x4], $0x80, $0x38;
	[tilespmem:$0x14C00] =	vst v63  }
0x177: {  	s2 =	sadd.s32 $0x4000, s2;
	s28 =	sadd.s32 $0x12DB8, s10;
	s26 =	smov.u32 s30  }
0x178: {  	[hbm4b:s29+s3] =	stream.linear.scatter [tilespmem:s28], [sflag:$0x4], $0x80, $0x38;
	[tilespmem:$0x14C00] =	vst v63  }
0x179: {  	s10 =	sadd.s32 $0x12A00, s0  }
0x17a: {  	[hbm4b:s2+s3] =	stream.linear.scatter [tilespmem:s10], [sflag:$0x4], $0x80, $0x38;
	[tilespmem:$0x14C00] =	vst v63  }
0x17b: {  	s30 =	sadd.s32 $0x12A88, s0;
	s26 =	sadd.s32 $0x10, s2  }
0x17c: {  	[hbm4b:s26+s3] =	stream.linear.scatter [tilespmem:s30], [sflag:$0x4], $0x80, $0x38;
	[tilespmem:$0x14C00] =	vst v63  }
0x17d: {  	s31 =	sadd.s32 $0x12B10, s0;
	s24 =	sadd.s32 $0x20, s2  }
0x17e: {  	[hbm4b:s24+s3] =	stream.linear.scatter [tilespmem:s31], [sflag:$0x4], $0x80, $0x38;
	[tilespmem:$0x14C00] =	vst v63  }
0x17f: {  	s28 =	sadd.s32 $0x30, s2;
	s26 =	sadd.s32 $0x12B98, s0  }
0x180: {  	[hbm4b:s28+s3] =	stream.linear.scatter [tilespmem:s26], [sflag:$0x4], $0x80, $0x38;
	[tilespmem:$0x14C00] =	vst v63  }
0x181: {  	s29 =	sadd.s32 $0x12C20, s0;
	s30 =	sadd.s32 $0x40, s2  }
0x182: {  	[hbm4b:s30+s3] =	stream.linear.scatter [tilespmem:s29], [sflag:$0x4], $0x80, $0x38;
	[tilespmem:$0x14C00] =	vst v63  }
0x183: {  	s31 =	sadd.s32 $0x12CA8, s0;
	s24 =	sadd.s32 $0x50, s2  }
0x184: {  	[hbm4b:s24+s3] =	stream.linear.scatter [tilespmem:s31], [sflag:$0x4], $0x80, $0x38;
	[tilespmem:$0x14C00] =	vst v63  }
0x185: {  	s25 =	smul.u32 $0x64, s25;
	s28 =	sadd.s32 $0x12D30, s0;
	s29 =	sadd.s32 $0x60, s2  }
0x186: {  	[hbm4b:s29+s3] =	stream.linear.scatter [tilespmem:s28], [sflag:$0x4], $0x80, $0x38;
	[tilespmem:$0x14C00] =	vst v63  }
0x187: {  	s26 =	simm.s32 $0x1;
	s30 =	sadd.s32 $0x12DB8, s0;
	s31 =	sadd.s32 $0x70, s2  }
0x188: {  	[hbm4b:s31+s3] =	stream.linear.scatter [tilespmem:s30], [sflag:$0x4], $0x80, $0x38;
	[tilespmem:$0x14C00] =	vst v63  }
.LBB2_11:
0x189: {  	s0 =	sshll.u32 s26, $0x1  }
0x18a: {  	s29 =	sand.u32 $0x2, s0  }
0x18b: {  	s10 =	sshll.u32 s26, $0x8;
	s28 =	sor.u32 $0x1, s29  }
0x18c: {  	s0 =	sand.u32 $0x3FFFFE00, s10;
	s2 =	sshll.u32 s28, $0x7  }
0x18d: {  	s0 =	sor.u32 s2, s0  }
0x18e: {  	[tilespmem:s16], [sflag:$0x2] =	stream.indirect.gather [hbm4b:s5+s14], $0x40, s0, s14, $0xb8;
	[tilespmem:$0x14C00] =	vst v63  }
0x18f: {  	_ =	swait.ge [sflag:s17], $0x2000  }
0x190: {  	[sflag:s17] =	ssyncset.done $0x0  }
0x191: {  	[sflag:s17] =	ssyncadd.s32 $0xFFFFE000  }
0x192: {  	_ =	swait.ge [sflag:s22], $0x2000  }
0x193: {  	[sflag:s22] =	ssyncset.done $0x0  }
0x194: {  	s24 =	simm.s32 $0x0;
	s30 =	simm.s32 $0xC900;
	[sflag:s22] =	ssyncadd.s32 $0xFFFFE000  }
0x195: {  	v33 =	vadd.s32 s24, v0;
	v32 =	vld [tilespmem:s30+$0xFFFFFF00]  }
0x196: {  	v35 =	vadd.s32 s24, v1;
	v34 =	vld [tilespmem:s30+$0xFFFFFF10]  }
0x197: {  	v37 =	vadd.s32 s24, v2;
	v36 =	vld [tilespmem:s30+$0xFFFFFF20]  }
0x198: {  	v39 =	vadd.s32 s24, v3;
	v38 =	vld [tilespmem:s30+$0xFFFFFF30];
	_ =	sdelay $0x1  }
0x199: {  	[tilespmem:v33+s18+$0x0] =	vst.idx.msk $0xffff, v32  }
0x19a: {  	[tilespmem:v35+s18+$0x0] =	vst.idx.msk $0xffff, v34  }
0x19b: {  	[tilespmem:v37+s18+$0x0] =	vst.idx.msk $0xffff, v36  }
0x19c: {  	[tilespmem:v39+s18+$0x0] =	vst.idx.msk $0xffff, v38  }
0x19d: {  	v59 =	vadd.s32 s24, v4;
	v32 =	vld [tilespmem:s30+$0xFFFFFF40]  }
0x19e: {  	v60 =	vadd.s32 s24, v5;
	v34 =	vld [tilespmem:s30+$0xFFFFFF50]  }
0x19f: {  	v61 =	vadd.s32 s24, v6;
	v36 =	vld [tilespmem:s30+$0xFFFFFF60]  }
0x1a0: {  	v62 =	vadd.s32 s24, v7;
	v38 =	vld [tilespmem:s30+$0xFFFFFF70];
	_ =	sdelay $0x1  }
0x1a1: {  	[tilespmem:v59+s18+$0x0] =	vst.idx.msk $0xffff, v32  }
0x1a2: {  	[tilespmem:v60+s18+$0x0] =	vst.idx.msk $0xffff, v34  }
0x1a3: {  	[tilespmem:v61+s18+$0x0] =	vst.idx.msk $0xffff, v36  }
0x1a4: {  	[tilespmem:v62+s18+$0x0] =	vst.idx.msk $0xffff, v38  }
0x1a5: {  	v63 =	vadd.s32 s24, v8;
	v32 =	vld [tilespmem:s30+$0xFFFFFF80]  }
0x1a6: {  	v42 =	vadd.s32 s24, v9;
	v34 =	vld [tilespmem:s30+$0xFFFFFF90]  }
0x1a7: {  	v43 =	vadd.s32 s24, v10;
	v36 =	vld [tilespmem:s30+$0xFFFFFFA0]  }
0x1a8: {  	v44 =	vadd.s32 s24, v11;
	v38 =	vld [tilespmem:s30+$0xFFFFFFB0];
	_ =	sdelay $0x1  }
0x1a9: {  	[tilespmem:v63+s18+$0x0] =	vst.idx.msk $0xffff, v32  }
0x1aa: {  	[tilespmem:v42+s18+$0x0] =	vst.idx.msk $0xffff, v34  }
0x1ab: {  	[tilespmem:v43+s18+$0x0] =	vst.idx.msk $0xffff, v36  }
0x1ac: {  	[tilespmem:v44+s18+$0x0] =	vst.idx.msk $0xffff, v38  }
0x1ad: {  	v45 =	vadd.s32 s24, v12;
	v32 =	vld [tilespmem:s30+$0xFFFFFFC0]  }
0x1ae: {  	v46 =	vadd.s32 s24, v13;
	v34 =	vld [tilespmem:s30+$0xFFFFFFD0]  }
0x1af: {  	v47 =	vadd.s32 s24, v14;
	v36 =	vld [tilespmem:s30+$0xFFFFFFE0]  }
0x1b0: {  	v48 =	vadd.s32 s24, v15;
	v38 =	vld [tilespmem:s30+$0xFFFFFFF0];
	_ =	sdelay $0x1  }
0x1b1: {  	[tilespmem:v45+s18+$0x0] =	vst.idx.msk $0xffff, v32  }
0x1b2: {  	[tilespmem:v46+s18+$0x0] =	vst.idx.msk $0xffff, v34  }
0x1b3: {  	[tilespmem:v47+s18+$0x0] =	vst.idx.msk $0xffff, v36  }
0x1b4: {  	[tilespmem:v48+s18+$0x0] =	vst.idx.msk $0xffff, v38  }
0x1b5: {  	v49 =	vadd.s32 s24, v16;
	v32 =	vld [tilespmem:s30+$0x0]  }
0x1b6: {  	v50 =	vadd.s32 s24, v17;
	v34 =	vld [tilespmem:s30+$0x10]  }
0x1b7: {  	v51 =	vadd.s32 s24, v18;
	v36 =	vld [tilespmem:s30+$0x20]  }
0x1b8: {  	v52 =	vadd.s32 s24, v19;
	v38 =	vld [tilespmem:s30+$0x30];
	_ =	sdelay $0x1  }
0x1b9: {  	[tilespmem:v49+s18+$0x0] =	vst.idx.msk $0xffff, v32  }
0x1ba: {  	[tilespmem:v50+s18+$0x0] =	vst.idx.msk $0xffff, v34  }
0x1bb: {  	[tilespmem:v51+s18+$0x0] =	vst.idx.msk $0xffff, v36  }
0x1bc: {  	[tilespmem:v52+s18+$0x0] =	vst.idx.msk $0xffff, v38  }
0x1bd: {  	v53 =	vadd.s32 s24, v20;
	v32 =	vld [tilespmem:s30+$0x40]  }
0x1be: {  	v54 =	vadd.s32 s24, v21;
	v34 =	vld [tilespmem:s30+$0x50]  }
0x1bf: {  	v55 =	vadd.s32 s24, v22;
	v36 =	vld [tilespmem:s30+$0x60]  }
0x1c0: {  	v56 =	vadd.s32 s24, v23;
	v38 =	vld [tilespmem:s30+$0x70];
	_ =	sdelay $0x1  }
0x1c1: {  	[tilespmem:v53+s18+$0x0] =	vst.idx.msk $0xffff, v32  }
0x1c2: {  	[tilespmem:v54+s18+$0x0] =	vst.idx.msk $0xffff, v34  }
0x1c3: {  	[tilespmem:v55+s18+$0x0] =	vst.idx.msk $0xffff, v36  }
0x1c4: {  	[tilespmem:v56+s18+$0x0] =	vst.idx.msk $0xffff, v38  }
0x1c5: {  	v57 =	vadd.s32 s24, v24;
	v32 =	vld [tilespmem:s30+$0x80]  }
0x1c6: {  	v58 =	vadd.s32 s24, v25;
	v34 =	vld [tilespmem:s30+$0x90]  }
0x1c7: {  	v59 =	vadd.s32 s24, v26;
	v36 =	vld [tilespmem:s30+$0xA0]  }
0x1c8: {  	v60 =	vadd.s32 s24, v27;
	v38 =	vld [tilespmem:s30+$0xB0];
	_ =	sdelay $0x1  }
0x1c9: {  	[tilespmem:v57+s18+$0x0] =	vst.idx.msk $0xffff, v32  }
0x1ca: {  	[tilespmem:v58+s18+$0x0] =	vst.idx.msk $0xffff, v34  }
0x1cb: {  	[tilespmem:v59+s18+$0x0] =	vst.idx.msk $0xffff, v36  }
0x1cc: {  	[tilespmem:v60+s18+$0x0] =	vst.idx.msk $0xffff, v38  }
0x1cd: {  	v61 =	vadd.s32 s24, v28;
	v33 =	vld [tilespmem:s30+$0xC0];
	_ =	sdelay $0x1  }
0x1ce: {  	v62 =	vadd.s32 s24, v29;
	v35 =	vld [tilespmem:s30+$0xD0]  }
0x1cf: {  	v63 =	vadd.s32 s24, v30;
	v37 =	vld [tilespmem:s30+$0xE0];
	_ =	sdelay $0x1  }
0x1d0: {  	v32 =	vld [tilespmem:s30+$0xF0];
	[tilespmem:v61+s18+$0x0] =	vst.idx.msk $0xffff, v33;
	v33 =	vadd.s32 s24, v31;
	_ =	sdelay $0x1  }
0x1d1: {  	[tilespmem:v62+s18+$0x0] =	vst.idx.msk $0xffff, v35  }
0x1d2: {  	s31 =	sshrl.u32 s26, $0x1;
	s0 =	simm.s32 $0x8;
	[tilespmem:v63+s18+$0x0] =	vst.idx.msk $0xffff, v37  }
.LBB2_12:
0x1d3: {  	p1 =	sne.s32 s0, $0x78  }
0x1d4: {  	[tilespmem:v33+s18+$0x0] =	vst.idx.msk $0xffff, v32;
	s30 =	sadd.s32 $0x200, s30;
	s2 =	smov.u32 s0;
	s0 =	sadd.s32 $0x8, s0  }
0x1d5: {  	v32 =	vld [tilespmem:s30+$0xFFFFFF00];
	v33 =	vadd.s32 s2, v0  }
0x1d6: {  	v35 =	vadd.s32 s2, v1;
	v34 =	vld [tilespmem:s30+$0xFFFFFF10]  }
0x1d7: {  	v37 =	vadd.s32 s2, v2;
	v36 =	vld [tilespmem:s30+$0xFFFFFF20]  }
0x1d8: {  	v39 =	vadd.s32 s2, v3;
	v38 =	vld [tilespmem:s30+$0xFFFFFF30];
	_ =	sdelay $0x1  }
0x1d9: {  	[tilespmem:v33+s18+$0x0] =	vst.idx.msk $0xffff, v32  }
0x1da: {  	[tilespmem:v35+s18+$0x0] =	vst.idx.msk $0xffff, v34  }
0x1db: {  	[tilespmem:v37+s18+$0x0] =	vst.idx.msk $0xffff, v36  }
0x1dc: {  	[tilespmem:v39+s18+$0x0] =	vst.idx.msk $0xffff, v38  }
0x1dd: {  	v33 =	vadd.s32 s2, v4;
	v32 =	vld [tilespmem:s30+$0xFFFFFF40]  }
0x1de: {  	v35 =	vadd.s32 s2, v5;
	v34 =	vld [tilespmem:s30+$0xFFFFFF50]  }
0x1df: {  	v37 =	vadd.s32 s2, v6;
	v36 =	vld [tilespmem:s30+$0xFFFFFF60]  }
0x1e0: {  	v39 =	vadd.s32 s2, v7;
	v38 =	vld [tilespmem:s30+$0xFFFFFF70];
	_ =	sdelay $0x1  }
0x1e1: {  	[tilespmem:v33+s18+$0x0] =	vst.idx.msk $0xffff, v32  }
0x1e2: {  	[tilespmem:v35+s18+$0x0] =	vst.idx.msk $0xffff, v34  }
0x1e3: {  	[tilespmem:v37+s18+$0x0] =	vst.idx.msk $0xffff, v36  }
0x1e4: {  	[tilespmem:v39+s18+$0x0] =	vst.idx.msk $0xffff, v38  }
0x1e5: {  	v33 =	vadd.s32 s2, v8;
	v32 =	vld [tilespmem:s30+$0xFFFFFF80]  }
0x1e6: {  	v35 =	vadd.s32 s2, v9;
	v34 =	vld [tilespmem:s30+$0xFFFFFF90]  }
0x1e7: {  	v37 =	vadd.s32 s2, v10;
	v36 =	vld [tilespmem:s30+$0xFFFFFFA0]  }
0x1e8: {  	v39 =	vadd.s32 s2, v11;
	v38 =	vld [tilespmem:s30+$0xFFFFFFB0];
	_ =	sdelay $0x1  }
0x1e9: {  	[tilespmem:v33+s18+$0x0] =	vst.idx.msk $0xffff, v32  }
0x1ea: {  	[tilespmem:v35+s18+$0x0] =	vst.idx.msk $0xffff, v34  }
0x1eb: {  	[tilespmem:v37+s18+$0x0] =	vst.idx.msk $0xffff, v36  }
0x1ec: {  	[tilespmem:v39+s18+$0x0] =	vst.idx.msk $0xffff, v38  }
0x1ed: {  	v33 =	vadd.s32 s2, v12;
	v32 =	vld [tilespmem:s30+$0xFFFFFFC0]  }
0x1ee: {  	v35 =	vadd.s32 s2, v13;
	v34 =	vld [tilespmem:s30+$0xFFFFFFD0]  }
0x1ef: {  	v37 =	vadd.s32 s2, v14;
	v36 =	vld [tilespmem:s30+$0xFFFFFFE0]  }
0x1f0: {  	v39 =	vadd.s32 s2, v15;
	v38 =	vld [tilespmem:s30+$0xFFFFFFF0];
	_ =	sdelay $0x1  }
0x1f1: {  	[tilespmem:v33+s18+$0x0] =	vst.idx.msk $0xffff, v32  }
0x1f2: {  	[tilespmem:v35+s18+$0x0] =	vst.idx.msk $0xffff, v34  }
0x1f3: {  	[tilespmem:v37+s18+$0x0] =	vst.idx.msk $0xffff, v36  }
0x1f4: {  	[tilespmem:v39+s18+$0x0] =	vst.idx.msk $0xffff, v38  }
0x1f5: {  	v33 =	vadd.s32 s2, v16;
	v32 =	vld [tilespmem:s30+$0x0]  }
0x1f6: {  	v35 =	vadd.s32 s2, v17;
	v34 =	vld [tilespmem:s30+$0x10]  }
0x1f7: {  	v37 =	vadd.s32 s2, v18;
	v36 =	vld [tilespmem:s30+$0x20]  }
0x1f8: {  	v39 =	vadd.s32 s2, v19;
	v38 =	vld [tilespmem:s30+$0x30];
	_ =	sdelay $0x1  }
0x1f9: {  	[tilespmem:v33+s18+$0x0] =	vst.idx.msk $0xffff, v32  }
0x1fa: {  	[tilespmem:v35+s18+$0x0] =	vst.idx.msk $0xffff, v34  }
0x1fb: {  	[tilespmem:v37+s18+$0x0] =	vst.idx.msk $0xffff, v36  }
0x1fc: {  	[tilespmem:v39+s18+$0x0] =	vst.idx.msk $0xffff, v38  }
0x1fd: {  	v33 =	vadd.s32 s2, v20;
	v32 =	vld [tilespmem:s30+$0x40]  }
0x1fe: {  	v35 =	vadd.s32 s2, v21;
	v34 =	vld [tilespmem:s30+$0x50]  }
0x1ff: {  	v37 =	vadd.s32 s2, v22;
	v36 =	vld [tilespmem:s30+$0x60]  }
0x200: {  	v39 =	vadd.s32 s2, v23;
	v38 =	vld [tilespmem:s30+$0x70];
	_ =	sdelay $0x1  }
0x201: {  	[tilespmem:v33+s18+$0x0] =	vst.idx.msk $0xffff, v32  }
0x202: {  	[tilespmem:v35+s18+$0x0] =	vst.idx.msk $0xffff, v34  }
0x203: {  	[tilespmem:v37+s18+$0x0] =	vst.idx.msk $0xffff, v36  }
0x204: {  	[tilespmem:v39+s18+$0x0] =	vst.idx.msk $0xffff, v38  }
0x205: {  	v33 =	vadd.s32 s2, v24;
	v32 =	vld [tilespmem:s30+$0x80]  }
0x206: {  	v35 =	vadd.s32 s2, v25;
	v34 =	vld [tilespmem:s30+$0x90]  }
0x207: {  	v37 =	vadd.s32 s2, v26;
	v36 =	vld [tilespmem:s30+$0xA0]  }
0x208: {  	v39 =	vadd.s32 s2, v27;
	v38 =	vld [tilespmem:s30+$0xB0];
	_ =	sdelay $0x1  }
0x209: {  	[tilespmem:v33+s18+$0x0] =	vst.idx.msk $0xffff, v32  }
0x20a: {  	[tilespmem:v35+s18+$0x0] =	vst.idx.msk $0xffff, v34  }
0x20b: {  	[tilespmem:v37+s18+$0x0] =	vst.idx.msk $0xffff, v36  }
0x20c: {  	[tilespmem:v39+s18+$0x0] =	vst.idx.msk $0xffff, v38  }
0x20d: {  	v35 =	vadd.s32 s2, v28;
	v34 =	vld [tilespmem:s30+$0xC0]  }
0x20e: {  	v37 =	vadd.s32 s2, v29;
	v36 =	vld [tilespmem:s30+$0xD0]  }
0x20f: {  	v39 =	vadd.s32 s2, v30;
	v38 =	vld [tilespmem:s30+$0xE0]  }
.Ltmp4:
0x210: {  	v33 =	vadd.s32 s2, v31;
	v32 =	vld [tilespmem:s30+$0xF0];
	(pc) =	sbr.rel @p1 .LBB2_12-.Ltmp4, $4  }
0x211: {  	_ = 	snop  }
0x212: {  	[tilespmem:v35+s18+$0x0] =	vst.idx.msk $0xffff, v34  }
0x213: {  	[tilespmem:v37+s18+$0x0] =	vst.idx.msk $0xffff, v36  }
0x214: {  	[tilespmem:v39+s18+$0x0] =	vst.idx.msk $0xffff, v38  }
0x215: {  	_ = 	snop  }
0x216: {  	s0 =	sadd.s32 s25, s31  }
0x217: {  	s2 =	sor.u32 s7, s29;
	s0 =	sshll.u32 s0, $0x11  }
0x218: {  	s2 =	sshll.u32 s2, $0x7;
	s29 =	sadd.s32 s1, s0  }
0x219: {  	[tilespmem:v33+s18+$0x0] =	vst.idx.msk $0xffff, v32;
	s10 =	simm.s32 $0x10800;
	s2 =	sadd.s32 s2, s29  }
0x21a: {  	[hbm4b:s2+s3] =	stream.linear.scatter [tilespmem:s10], [sflag:$0x3], $0x80, $0x38;
	[tilespmem:$0x14C00] =	vst v63  }
0x21b: {  	s24 =	simm.s32 $0x10888;
	s10 =	sadd.s32 $0x10, s2  }
0x21c: {  	[hbm4b:s10+s3] =	stream.linear.scatter [tilespmem:s24], [sflag:$0x3], $0x80, $0x38;
	[tilespmem:$0x14C00] =	vst v63  }
0x21d: {  	s10 =	simm.s32 $0x10910;
	s24 =	sadd.s32 $0x20, s2  }
0x21e: {  	[hbm4b:s24+s3] =	stream.linear.scatter [tilespmem:s10], [sflag:$0x3], $0x80, $0x38;
	[tilespmem:$0x14C00] =	vst v63  }
0x21f: {  	s10 =	simm.s32 $0x10998;
	s24 =	sadd.s32 $0x30, s2  }
0x220: {  	[hbm4b:s24+s3] =	stream.linear.scatter [tilespmem:s10], [sflag:$0x3], $0x80, $0x38;
	[tilespmem:$0x14C00] =	vst v63  }
0x221: {  	s10 =	simm.s32 $0x10A20;
	s24 =	sadd.s32 $0x40, s2  }
0x222: {  	[hbm4b:s24+s3] =	stream.linear.scatter [tilespmem:s10], [sflag:$0x3], $0x80, $0x38;
	[tilespmem:$0x14C00] =	vst v63  }
0x223: {  	s30 =	simm.s32 $0x2200;
	s10 =	simm.s32 $0x10AA8;
	s24 =	sadd.s32 $0x50, s2  }
0x224: {  	[hbm4b:s24+s3] =	stream.linear.scatter [tilespmem:s10], [sflag:$0x3], $0x80, $0x38;
	[tilespmem:$0x14C00] =	vst v63  }
0x225: {  	s31 =	simm.s32 $0x10BB8;
	s10 =	simm.s32 $0x10B30;
	s24 =	sadd.s32 $0x60, s2  }
0x226: {  	[hbm4b:s24+s3] =	stream.linear.scatter [tilespmem:s10], [sflag:$0x3], $0x80, $0x38;
	[tilespmem:$0x14C00] =	vst v63  }
0x227: {  	s0 =	simm.s32 $0x440;
	s10 =	sadd.s32 $0x70, s2;
	s2 =	sadd.s32 $0x4000, s2  }
.LBB2_14:
0x228: {  	[hbm4b:s10+s3] =	stream.linear.scatter [tilespmem:s31], [sflag:$0x3], $0x80, $0x38;
	[tilespmem:$0x14C00] =	vst v63  }
0x229: {  	s10 =	smov.u32 s0;
	s0 =	smov.u32 s30  }
0x22a: {  	s24 =	sadd.s32 $0x1100, s30;
	s0 =	sshra.s32 s0, $0x2;
	s31 =	sadd.s32 $0x10800, s10  }
0x22b: {  	[hbm4b:s2+s3] =	stream.linear.scatter [tilespmem:s31], [sflag:$0x3], $0x80, $0x38;
	[tilespmem:$0x14C00] =	vst v63  }
0x22c: {  	p1 =	sne.s32 s30, $0x7700;
	s30 =	sadd.s32 $0x10888, s10;
	s31 =	sadd.s32 $0x10, s2  }
0x22d: {  	[hbm4b:s31+s3] =	stream.linear.scatter [tilespmem:s30], [sflag:$0x3], $0x80, $0x38;
	[tilespmem:$0x14C00] =	vst v63  }
0x22e: {  	s30 =	sadd.s32 $0x10910, s10;
	s31 =	sadd.s32 $0x20, s2  }
0x22f: {  	[hbm4b:s31+s3] =	stream.linear.scatter [tilespmem:s30], [sflag:$0x3], $0x80, $0x38;
	[tilespmem:$0x14C00] =	vst v63  }
0x230: {  	s30 =	sadd.s32 $0x10998, s10;
	s31 =	sadd.s32 $0x30, s2  }
0x231: {  	[hbm4b:s31+s3] =	stream.linear.scatter [tilespmem:s30], [sflag:$0x3], $0x80, $0x38;
	[tilespmem:$0x14C00] =	vst v63  }
0x232: {  	s30 =	sadd.s32 $0x10A20, s10;
	s31 =	sadd.s32 $0x40, s2  }
0x233: {  	[hbm4b:s31+s3] =	stream.linear.scatter [tilespmem:s30], [sflag:$0x3], $0x80, $0x38;
	[tilespmem:$0x14C00] =	vst v63  }
0x234: {  	s30 =	sadd.s32 $0x10AA8, s10;
	s31 =	sadd.s32 $0x50, s2  }
0x235: {  	[hbm4b:s31+s3] =	stream.linear.scatter [tilespmem:s30], [sflag:$0x3], $0x80, $0x38;
	[tilespmem:$0x14C00] =	vst v63  }
.Ltmp5:
0x236: {  	_ = 	snop;
	(pc) =	sbr.rel @p1 .LBB2_14-.Ltmp5, $4  }
0x237: {  	s30 =	sadd.s32 $0x10B30, s10;
	s31 =	sadd.s32 $0x60, s2  }
0x238: {  	[hbm4b:s31+s3] =	stream.linear.scatter [tilespmem:s30], [sflag:$0x3], $0x80, $0x38;
	[tilespmem:$0x14C00] =	vst v63  }
0x239: {  	s31 =	sadd.s32 $0x10BB8, s10  }
0x23a: {  	s10 =	sadd.s32 $0x70, s2;
	s2 =	sadd.s32 $0x4000, s2;
	s30 =	smov.u32 s24  }
0x23b: {  	[hbm4b:s10+s3] =	stream.linear.scatter [tilespmem:s31], [sflag:$0x3], $0x80, $0x38;
	[tilespmem:$0x14C00] =	vst v63  }
0x23c: {  	s24 =	sadd.s32 $0x10800, s0  }
0x23d: {  	[hbm4b:s2+s3] =	stream.linear.scatter [tilespmem:s24], [sflag:$0x3], $0x80, $0x38;
	[tilespmem:$0x14C00] =	vst v63  }
0x23e: {  	s31 =	sadd.s32 $0x10888, s0;
	s24 =	sadd.s32 $0x10, s2  }
0x23f: {  	[hbm4b:s24+s3] =	stream.linear.scatter [tilespmem:s31], [sflag:$0x3], $0x80, $0x38;
	[tilespmem:$0x14C00] =	vst v63  }
0x240: {  	s24 =	sadd.s32 $0x10910, s0;
	s31 =	sadd.s32 $0x20, s2  }
0x241: {  	[hbm4b:s31+s3] =	stream.linear.scatter [tilespmem:s24], [sflag:$0x3], $0x80, $0x38;
	[tilespmem:$0x14C00] =	vst v63  }
0x242: {  	s24 =	sadd.s32 $0x10998, s0;
	s31 =	sadd.s32 $0x30, s2  }
0x243: {  	[hbm4b:s31+s3] =	stream.linear.scatter [tilespmem:s24], [sflag:$0x3], $0x80, $0x38;
	[tilespmem:$0x14C00] =	vst v63  }
0x244: {  	s10 =	sadd.s32 $0x10BB8, s0;
	s24 =	sadd.s32 $0x10A20, s0;
	s31 =	sadd.s32 $0x40, s2  }
0x245: {  	[hbm4b:s31+s3] =	stream.linear.scatter [tilespmem:s24], [sflag:$0x3], $0x80, $0x38;
	[tilespmem:$0x14C00] =	vst v63  }
0x246: {  	p1 =	seq.s32 s26, $0xC7;
	s24 =	sadd.s32 $0x10AA8, s0;
	s31 =	sadd.s32 $0x50, s2  }
0x247: {  	[hbm4b:s31+s3] =	stream.linear.scatter [tilespmem:s24], [sflag:$0x3], $0x80, $0x38;
	[tilespmem:$0x14C00] =	vst v63  }
0x248: {  	s24 =	sadd.s32 $0x10B30, s0;
	s31 =	sadd.s32 $0x60, s2;
	s0 =	sshll.u32 @!p1 s26, $0x8  }
0x249: {  	[hbm4b:s31+s3] =	stream.linear.scatter [tilespmem:s24], [sflag:$0x3], $0x80, $0x38;
	[tilespmem:$0x14C00] =	vst v63  }
0x24a: {  	s0 =	sadd.s32 @!p1 $0x100, s0;
	s24 =	sadd.s32 $0x70, s2  }
0x24b: {  	[hbm4b:s24+s3] =	stream.linear.scatter [tilespmem:s10], [sflag:$0x3], $0x80, $0x38;
	[tilespmem:$0x14C00] =	vst v63  }
0x24c: {  	s0 =	sand.u32 @!p1 $0x1FF00, s0;
	s2 =	simm.s32 @!p1 $0x80;
	s10 =	simm.s32 @!p1 $0xC800  }
0x24d: {  	[tilespmem:s10], [sflag:$0x1] =	stream.indirect.gather @!p1 [hbm4b:s5+s2], $0x40, s0, s2, $0xb8;
	[tilespmem:$0x14C00] =	vst v63  }
0x24e: {  	_ =	swait.ge [sflag:s20], $0x2000  }
0x24f: {  	[sflag:s20] =	ssyncset.done $0x0  }
0x250: {  	[sflag:s20] =	ssyncadd.s32 $0xFFFFE000  }
0x251: {  	_ =	swait.ge [sflag:s23], $0x2000  }
0x252: {  	[sflag:s23] =	ssyncset.done $0x0  }
0x253: {  	s30 =	simm.s32 $0xE900;
	s31 =	simm.s32 $0x0;
	[sflag:s23] =	ssyncadd.s32 $0xFFFFE000  }
0x254: {  	v33 =	vadd.s32 s31, v0;
	v32 =	vld [tilespmem:s30+$0xFFFFFF00]  }
0x255: {  	v35 =	vadd.s32 s31, v1;
	v34 =	vld [tilespmem:s30+$0xFFFFFF10]  }
0x256: {  	v37 =	vadd.s32 s31, v2;
	v36 =	vld [tilespmem:s30+$0xFFFFFF20]  }
0x257: {  	v39 =	vadd.s32 s31, v3;
	v38 =	vld [tilespmem:s30+$0xFFFFFF30];
	_ =	sdelay $0x1  }
0x258: {  	[tilespmem:v33+s21+$0x0] =	vst.idx.msk $0xffff, v32  }
0x259: {  	[tilespmem:v35+s21+$0x0] =	vst.idx.msk $0xffff, v34  }
0x25a: {  	[tilespmem:v37+s21+$0x0] =	vst.idx.msk $0xffff, v36  }
0x25b: {  	[tilespmem:v39+s21+$0x0] =	vst.idx.msk $0xffff, v38  }
0x25c: {  	v59 =	vadd.s32 s31, v4;
	v32 =	vld [tilespmem:s30+$0xFFFFFF40]  }
0x25d: {  	v60 =	vadd.s32 s31, v5;
	v34 =	vld [tilespmem:s30+$0xFFFFFF50]  }
0x25e: {  	v61 =	vadd.s32 s31, v6;
	v36 =	vld [tilespmem:s30+$0xFFFFFF60]  }
0x25f: {  	v62 =	vadd.s32 s31, v7;
	v38 =	vld [tilespmem:s30+$0xFFFFFF70];
	_ =	sdelay $0x1  }
0x260: {  	[tilespmem:v59+s21+$0x0] =	vst.idx.msk $0xffff, v32  }
0x261: {  	[tilespmem:v60+s21+$0x0] =	vst.idx.msk $0xffff, v34  }
0x262: {  	[tilespmem:v61+s21+$0x0] =	vst.idx.msk $0xffff, v36  }
0x263: {  	[tilespmem:v62+s21+$0x0] =	vst.idx.msk $0xffff, v38  }
0x264: {  	v63 =	vadd.s32 s31, v8;
	v32 =	vld [tilespmem:s30+$0xFFFFFF80]  }
0x265: {  	v42 =	vadd.s32 s31, v9;
	v34 =	vld [tilespmem:s30+$0xFFFFFF90]  }
0x266: {  	v43 =	vadd.s32 s31, v10;
	v36 =	vld [tilespmem:s30+$0xFFFFFFA0]  }
0x267: {  	v44 =	vadd.s32 s31, v11;
	v38 =	vld [tilespmem:s30+$0xFFFFFFB0];
	_ =	sdelay $0x1  }
0x268: {  	[tilespmem:v63+s21+$0x0] =	vst.idx.msk $0xffff, v32  }
0x269: {  	[tilespmem:v42+s21+$0x0] =	vst.idx.msk $0xffff, v34  }
0x26a: {  	[tilespmem:v43+s21+$0x0] =	vst.idx.msk $0xffff, v36  }
0x26b: {  	[tilespmem:v44+s21+$0x0] =	vst.idx.msk $0xffff, v38  }
0x26c: {  	v45 =	vadd.s32 s31, v12;
	v32 =	vld [tilespmem:s30+$0xFFFFFFC0]  }
0x26d: {  	v46 =	vadd.s32 s31, v13;
	v34 =	vld [tilespmem:s30+$0xFFFFFFD0]  }
0x26e: {  	v47 =	vadd.s32 s31, v14;
	v36 =	vld [tilespmem:s30+$0xFFFFFFE0]  }
0x26f: {  	v48 =	vadd.s32 s31, v15;
	v38 =	vld [tilespmem:s30+$0xFFFFFFF0];
	_ =	sdelay $0x1  }
0x270: {  	[tilespmem:v45+s21+$0x0] =	vst.idx.msk $0xffff, v32  }
0x271: {  	[tilespmem:v46+s21+$0x0] =	vst.idx.msk $0xffff, v34  }
0x272: {  	[tilespmem:v47+s21+$0x0] =	vst.idx.msk $0xffff, v36  }
0x273: {  	[tilespmem:v48+s21+$0x0] =	vst.idx.msk $0xffff, v38  }
0x274: {  	v49 =	vadd.s32 s31, v16;
	v32 =	vld [tilespmem:s30+$0x0]  }
0x275: {  	v50 =	vadd.s32 s31, v17;
	v34 =	vld [tilespmem:s30+$0x10]  }
0x276: {  	v51 =	vadd.s32 s31, v18;
	v36 =	vld [tilespmem:s30+$0x20]  }
0x277: {  	v52 =	vadd.s32 s31, v19;
	v38 =	vld [tilespmem:s30+$0x30];
	_ =	sdelay $0x1  }
0x278: {  	[tilespmem:v49+s21+$0x0] =	vst.idx.msk $0xffff, v32  }
0x279: {  	[tilespmem:v50+s21+$0x0] =	vst.idx.msk $0xffff, v34  }
0x27a: {  	[tilespmem:v51+s21+$0x0] =	vst.idx.msk $0xffff, v36  }
0x27b: {  	[tilespmem:v52+s21+$0x0] =	vst.idx.msk $0xffff, v38  }
0x27c: {  	v53 =	vadd.s32 s31, v20;
	v32 =	vld [tilespmem:s30+$0x40]  }
0x27d: {  	v54 =	vadd.s32 s31, v21;
	v34 =	vld [tilespmem:s30+$0x50]  }
0x27e: {  	v55 =	vadd.s32 s31, v22;
	v36 =	vld [tilespmem:s30+$0x60]  }
0x27f: {  	v56 =	vadd.s32 s31, v23;
	v38 =	vld [tilespmem:s30+$0x70];
	_ =	sdelay $0x1  }
0x280: {  	[tilespmem:v53+s21+$0x0] =	vst.idx.msk $0xffff, v32  }
0x281: {  	[tilespmem:v54+s21+$0x0] =	vst.idx.msk $0xffff, v34  }
0x282: {  	[tilespmem:v55+s21+$0x0] =	vst.idx.msk $0xffff, v36  }
0x283: {  	[tilespmem:v56+s21+$0x0] =	vst.idx.msk $0xffff, v38  }
0x284: {  	v57 =	vadd.s32 s31, v24;
	v32 =	vld [tilespmem:s30+$0x80]  }
0x285: {  	v58 =	vadd.s32 s31, v25;
	v34 =	vld [tilespmem:s30+$0x90]  }
0x286: {  	v59 =	vadd.s32 s31, v26;
	v36 =	vld [tilespmem:s30+$0xA0]  }
0x287: {  	v60 =	vadd.s32 s31, v27;
	v38 =	vld [tilespmem:s30+$0xB0];
	_ =	sdelay $0x1  }
0x288: {  	[tilespmem:v57+s21+$0x0] =	vst.idx.msk $0xffff, v32  }
0x289: {  	[tilespmem:v58+s21+$0x0] =	vst.idx.msk $0xffff, v34  }
0x28a: {  	[tilespmem:v59+s21+$0x0] =	vst.idx.msk $0xffff, v36  }
0x28b: {  	[tilespmem:v60+s21+$0x0] =	vst.idx.msk $0xffff, v38  }
0x28c: {  	v61 =	vadd.s32 s31, v28;
	v33 =	vld [tilespmem:s30+$0xC0];
	_ =	sdelay $0x1  }
0x28d: {  	v62 =	vadd.s32 s31, v29;
	v35 =	vld [tilespmem:s30+$0xD0]  }
0x28e: {  	v63 =	vadd.s32 s31, v30;
	v37 =	vld [tilespmem:s30+$0xE0];
	_ =	sdelay $0x1  }
0x28f: {  	v32 =	vld [tilespmem:s30+$0xF0];
	[tilespmem:v61+s21+$0x0] =	vst.idx.msk $0xffff, v33;
	v33 =	vadd.s32 s31, v31;
	_ =	sdelay $0x1  }
0x290: {  	[tilespmem:v62+s21+$0x0] =	vst.idx.msk $0xffff, v35  }
0x291: {  	s0 =	simm.s32 $0x8;
	[tilespmem:v63+s21+$0x0] =	vst.idx.msk $0xffff, v37  }
.LBB2_16:
0x292: {  	p1 =	sne.s32 s0, $0x78  }
0x293: {  	[tilespmem:v33+s21+$0x0] =	vst.idx.msk $0xffff, v32;
	s30 =	sadd.s32 $0x200, s30;
	s2 =	smov.u32 s0;
	s0 =	sadd.s32 $0x8, s0  }
0x294: {  	v32 =	vld [tilespmem:s30+$0xFFFFFF00];
	v33 =	vadd.s32 s2, v0  }
0x295: {  	v35 =	vadd.s32 s2, v1;
	v34 =	vld [tilespmem:s30+$0xFFFFFF10]  }
0x296: {  	v37 =	vadd.s32 s2, v2;
	v36 =	vld [tilespmem:s30+$0xFFFFFF20]  }
0x297: {  	v39 =	vadd.s32 s2, v3;
	v38 =	vld [tilespmem:s30+$0xFFFFFF30];
	_ =	sdelay $0x1  }
0x298: {  	[tilespmem:v33+s21+$0x0] =	vst.idx.msk $0xffff, v32  }
0x299: {  	[tilespmem:v35+s21+$0x0] =	vst.idx.msk $0xffff, v34  }
0x29a: {  	[tilespmem:v37+s21+$0x0] =	vst.idx.msk $0xffff, v36  }
0x29b: {  	[tilespmem:v39+s21+$0x0] =	vst.idx.msk $0xffff, v38  }
0x29c: {  	v33 =	vadd.s32 s2, v4;
	v32 =	vld [tilespmem:s30+$0xFFFFFF40]  }
0x29d: {  	v35 =	vadd.s32 s2, v5;
	v34 =	vld [tilespmem:s30+$0xFFFFFF50]  }
0x29e: {  	v37 =	vadd.s32 s2, v6;
	v36 =	vld [tilespmem:s30+$0xFFFFFF60]  }
0x29f: {  	v39 =	vadd.s32 s2, v7;
	v38 =	vld [tilespmem:s30+$0xFFFFFF70];
	_ =	sdelay $0x1  }
0x2a0: {  	[tilespmem:v33+s21+$0x0] =	vst.idx.msk $0xffff, v32  }
0x2a1: {  	[tilespmem:v35+s21+$0x0] =	vst.idx.msk $0xffff, v34  }
0x2a2: {  	[tilespmem:v37+s21+$0x0] =	vst.idx.msk $0xffff, v36  }
0x2a3: {  	[tilespmem:v39+s21+$0x0] =	vst.idx.msk $0xffff, v38  }
0x2a4: {  	v33 =	vadd.s32 s2, v8;
	v32 =	vld [tilespmem:s30+$0xFFFFFF80]  }
0x2a5: {  	v35 =	vadd.s32 s2, v9;
	v34 =	vld [tilespmem:s30+$0xFFFFFF90]  }
0x2a6: {  	v37 =	vadd.s32 s2, v10;
	v36 =	vld [tilespmem:s30+$0xFFFFFFA0]  }
0x2a7: {  	v39 =	vadd.s32 s2, v11;
	v38 =	vld [tilespmem:s30+$0xFFFFFFB0];
	_ =	sdelay $0x1  }
0x2a8: {  	[tilespmem:v33+s21+$0x0] =	vst.idx.msk $0xffff, v32  }
0x2a9: {  	[tilespmem:v35+s21+$0x0] =	vst.idx.msk $0xffff, v34  }
0x2aa: {  	[tilespmem:v37+s21+$0x0] =	vst.idx.msk $0xffff, v36  }
0x2ab: {  	[tilespmem:v39+s21+$0x0] =	vst.idx.msk $0xffff, v38  }
0x2ac: {  	v33 =	vadd.s32 s2, v12;
	v32 =	vld [tilespmem:s30+$0xFFFFFFC0]  }
0x2ad: {  	v35 =	vadd.s32 s2, v13;
	v34 =	vld [tilespmem:s30+$0xFFFFFFD0]  }
0x2ae: {  	v37 =	vadd.s32 s2, v14;
	v36 =	vld [tilespmem:s30+$0xFFFFFFE0]  }
0x2af: {  	v39 =	vadd.s32 s2, v15;
	v38 =	vld [tilespmem:s30+$0xFFFFFFF0];
	_ =	sdelay $0x1  }
0x2b0: {  	[tilespmem:v33+s21+$0x0] =	vst.idx.msk $0xffff, v32  }
0x2b1: {  	[tilespmem:v35+s21+$0x0] =	vst.idx.msk $0xffff, v34  }
0x2b2: {  	[tilespmem:v37+s21+$0x0] =	vst.idx.msk $0xffff, v36  }
0x2b3: {  	[tilespmem:v39+s21+$0x0] =	vst.idx.msk $0xffff, v38  }
0x2b4: {  	v33 =	vadd.s32 s2, v16;
	v32 =	vld [tilespmem:s30+$0x0]  }
0x2b5: {  	v35 =	vadd.s32 s2, v17;
	v34 =	vld [tilespmem:s30+$0x10]  }
0x2b6: {  	v37 =	vadd.s32 s2, v18;
	v36 =	vld [tilespmem:s30+$0x20]  }
0x2b7: {  	v39 =	vadd.s32 s2, v19;
	v38 =	vld [tilespmem:s30+$0x30];
	_ =	sdelay $0x1  }
0x2b8: {  	[tilespmem:v33+s21+$0x0] =	vst.idx.msk $0xffff, v32  }
0x2b9: {  	[tilespmem:v35+s21+$0x0] =	vst.idx.msk $0xffff, v34  }
0x2ba: {  	[tilespmem:v37+s21+$0x0] =	vst.idx.msk $0xffff, v36  }
0x2bb: {  	[tilespmem:v39+s21+$0x0] =	vst.idx.msk $0xffff, v38  }
0x2bc: {  	v33 =	vadd.s32 s2, v20;
	v32 =	vld [tilespmem:s30+$0x40]  }
0x2bd: {  	v35 =	vadd.s32 s2, v21;
	v34 =	vld [tilespmem:s30+$0x50]  }
0x2be: {  	v37 =	vadd.s32 s2, v22;
	v36 =	vld [tilespmem:s30+$0x60]  }
0x2bf: {  	v39 =	vadd.s32 s2, v23;
	v38 =	vld [tilespmem:s30+$0x70];
	_ =	sdelay $0x1  }
0x2c0: {  	[tilespmem:v33+s21+$0x0] =	vst.idx.msk $0xffff, v32  }
0x2c1: {  	[tilespmem:v35+s21+$0x0] =	vst.idx.msk $0xffff, v34  }
0x2c2: {  	[tilespmem:v37+s21+$0x0] =	vst.idx.msk $0xffff, v36  }
0x2c3: {  	[tilespmem:v39+s21+$0x0] =	vst.idx.msk $0xffff, v38  }
0x2c4: {  	v33 =	vadd.s32 s2, v24;
	v32 =	vld [tilespmem:s30+$0x80]  }
0x2c5: {  	v35 =	vadd.s32 s2, v25;
	v34 =	vld [tilespmem:s30+$0x90]  }
0x2c6: {  	v37 =	vadd.s32 s2, v26;
	v36 =	vld [tilespmem:s30+$0xA0]  }
0x2c7: {  	v39 =	vadd.s32 s2, v27;
	v38 =	vld [tilespmem:s30+$0xB0];
	_ =	sdelay $0x1  }
0x2c8: {  	[tilespmem:v33+s21+$0x0] =	vst.idx.msk $0xffff, v32  }
0x2c9: {  	[tilespmem:v35+s21+$0x0] =	vst.idx.msk $0xffff, v34  }
0x2ca: {  	[tilespmem:v37+s21+$0x0] =	vst.idx.msk $0xffff, v36  }
0x2cb: {  	[tilespmem:v39+s21+$0x0] =	vst.idx.msk $0xffff, v38  }
0x2cc: {  	v35 =	vadd.s32 s2, v28;
	v34 =	vld [tilespmem:s30+$0xC0]  }
0x2cd: {  	v37 =	vadd.s32 s2, v29;
	v36 =	vld [tilespmem:s30+$0xD0]  }
0x2ce: {  	v39 =	vadd.s32 s2, v30;
	v38 =	vld [tilespmem:s30+$0xE0]  }
.Ltmp6:
0x2cf: {  	v33 =	vadd.s32 s2, v31;
	v32 =	vld [tilespmem:s30+$0xF0];
	(pc) =	sbr.rel @p1 .LBB2_16-.Ltmp6, $4  }
0x2d0: {  	_ = 	snop  }
0x2d1: {  	[tilespmem:v35+s21+$0x0] =	vst.idx.msk $0xffff, v34  }
0x2d2: {  	[tilespmem:v37+s21+$0x0] =	vst.idx.msk $0xffff, v36  }
0x2d3: {  	[tilespmem:v39+s21+$0x0] =	vst.idx.msk $0xffff, v38  }
0x2d4: {  	_ =	sdelay $0x1  }
0x2d5: {  	s0 =	sor.u32 s7, s28  }
0x2d6: {  	s0 =	sshll.u32 s0, $0x7  }
0x2d7: {  	[tilespmem:v33+s21+$0x0] =	vst.idx.msk $0xffff, v32;
	s10 =	simm.s32 $0x12A00;
	s2 =	sadd.s32 s0, s29  }
0x2d8: {  	[hbm4b:s2+s3] =	stream.linear.scatter [tilespmem:s10], [sflag:$0x4], $0x80, $0x38;
	[tilespmem:$0x14C00] =	vst v63  }
0x2d9: {  	s24 =	simm.s32 $0x12A88;
	s10 =	sadd.s32 $0x10, s2  }
0x2da: {  	[hbm4b:s10+s3] =	stream.linear.scatter [tilespmem:s24], [sflag:$0x4], $0x80, $0x38;
	[tilespmem:$0x14C00] =	vst v63  }
0x2db: {  	s30 =	simm.s32 $0x12B10;
	s28 =	simm.s32 $0x2200;
	s31 =	sadd.s32 $0x20, s2  }
0x2dc: {  	[hbm4b:s31+s3] =	stream.linear.scatter [tilespmem:s30], [sflag:$0x4], $0x80, $0x38;
	[tilespmem:$0x14C00] =	vst v63  }
0x2dd: {  	s0 =	simm.s32 $0x440;
	s10 =	simm.s32 $0x12B98;
	s24 =	sadd.s32 $0x30, s2  }
0x2de: {  	[hbm4b:s24+s3] =	stream.linear.scatter [tilespmem:s10], [sflag:$0x4], $0x80, $0x38;
	[tilespmem:$0x14C00] =	vst v63  }
0x2df: {  	s29 =	simm.s32 $0x12DB8;
	s30 =	simm.s32 $0x12C20;
	s31 =	sadd.s32 $0x40, s2  }
0x2e0: {  	[hbm4b:s31+s3] =	stream.linear.scatter [tilespmem:s30], [sflag:$0x4], $0x80, $0x38;
	[tilespmem:$0x14C00] =	vst v63  }
0x2e1: {  	s10 =	simm.s32 $0x12CA8;
	s24 =	sadd.s32 $0x50, s2;
	s30 =	simm.s32 $0x12D30  }
0x2e2: {  	[hbm4b:s24+s3] =	stream.linear.scatter [tilespmem:s10], [sflag:$0x4], $0x80, $0x38;
	[tilespmem:$0x14C00] =	vst v63  }
0x2e3: {  	s31 =	sadd.s32 $0x60, s2;
	s10 =	sadd.s32 $0x70, s2;
	s2 =	sadd.s32 $0x4000, s2  }
0x2e4: {  	[hbm4b:s31+s3] =	stream.linear.scatter [tilespmem:s30], [sflag:$0x4], $0x80, $0x38;
	[tilespmem:$0x14C00] =	vst v63  }
.LBB2_18:
0x2e5: {  	[hbm4b:s10+s3] =	stream.linear.scatter [tilespmem:s29], [sflag:$0x4], $0x80, $0x38;
	[tilespmem:$0x14C00] =	vst v63  }
0x2e6: {  	s10 =	smov.u32 s0;
	s0 =	smov.u32 s28  }
0x2e7: {  	s24 =	sadd.s32 $0x1100, s28;
	s0 =	sshra.s32 s0, $0x2;
	s29 =	sadd.s32 $0x12A00, s10  }
0x2e8: {  	[hbm4b:s2+s3] =	stream.linear.scatter [tilespmem:s29], [sflag:$0x4], $0x80, $0x38;
	[tilespmem:$0x14C00] =	vst v63  }
0x2e9: {  	p1 =	sne.s32 s28, $0x7700;
	s28 =	sadd.s32 $0x12A88, s10;
	s29 =	sadd.s32 $0x10, s2  }
0x2ea: {  	[hbm4b:s29+s3] =	stream.linear.scatter [tilespmem:s28], [sflag:$0x4], $0x80, $0x38;
	[tilespmem:$0x14C00] =	vst v63  }
0x2eb: {  	s28 =	sadd.s32 $0x12B10, s10;
	s29 =	sadd.s32 $0x20, s2  }
0x2ec: {  	[hbm4b:s29+s3] =	stream.linear.scatter [tilespmem:s28], [sflag:$0x4], $0x80, $0x38;
	[tilespmem:$0x14C00] =	vst v63  }
0x2ed: {  	s28 =	sadd.s32 $0x12B98, s10;
	s29 =	sadd.s32 $0x30, s2  }
0x2ee: {  	[hbm4b:s29+s3] =	stream.linear.scatter [tilespmem:s28], [sflag:$0x4], $0x80, $0x38;
	[tilespmem:$0x14C00] =	vst v63  }
0x2ef: {  	s28 =	sadd.s32 $0x12C20, s10;
	s29 =	sadd.s32 $0x40, s2  }
0x2f0: {  	[hbm4b:s29+s3] =	stream.linear.scatter [tilespmem:s28], [sflag:$0x4], $0x80, $0x38;
	[tilespmem:$0x14C00] =	vst v63  }
0x2f1: {  	s28 =	sadd.s32 $0x12CA8, s10;
	s29 =	sadd.s32 $0x50, s2  }
0x2f2: {  	[hbm4b:s29+s3] =	stream.linear.scatter [tilespmem:s28], [sflag:$0x4], $0x80, $0x38;
	[tilespmem:$0x14C00] =	vst v63  }
.Ltmp7:
0x2f3: {  	_ = 	snop;
	(pc) =	sbr.rel @p1 .LBB2_18-.Ltmp7, $4  }
0x2f4: {  	s28 =	sadd.s32 $0x12D30, s10;
	s29 =	sadd.s32 $0x60, s2  }
0x2f5: {  	[hbm4b:s29+s3] =	stream.linear.scatter [tilespmem:s28], [sflag:$0x4], $0x80, $0x38;
	[tilespmem:$0x14C00] =	vst v63  }
0x2f6: {  	s29 =	sadd.s32 $0x12DB8, s10  }
0x2f7: {  	s10 =	sadd.s32 $0x70, s2;
	s2 =	sadd.s32 $0x4000, s2;
	s28 =	smov.u32 s24  }
0x2f8: {  	[hbm4b:s10+s3] =	stream.linear.scatter [tilespmem:s29], [sflag:$0x4], $0x80, $0x38;
	[tilespmem:$0x14C00] =	vst v63  }
0x2f9: {  	s30 =	sadd.s32 $0x12A00, s0  }
0x2fa: {  	[hbm4b:s2+s3] =	stream.linear.scatter [tilespmem:s30], [sflag:$0x4], $0x80, $0x38;
	[tilespmem:$0x14C00] =	vst v63  }
0x2fb: {  	s31 =	sadd.s32 $0x12A88, s0;
	s24 =	sadd.s32 $0x10, s2  }
0x2fc: {  	[hbm4b:s24+s3] =	stream.linear.scatter [tilespmem:s31], [sflag:$0x4], $0x80, $0x38;
	[tilespmem:$0x14C00] =	vst v63  }
0x2fd: {  	s28 =	sadd.s32 $0x12B10, s0;
	s29 =	sadd.s32 $0x20, s2  }
0x2fe: {  	[hbm4b:s29+s3] =	stream.linear.scatter [tilespmem:s28], [sflag:$0x4], $0x80, $0x38;
	[tilespmem:$0x14C00] =	vst v63  }
0x2ff: {  	s30 =	sadd.s32 $0x12B98, s0;
	s31 =	sadd.s32 $0x30, s2  }
0x300: {  	[hbm4b:s31+s3] =	stream.linear.scatter [tilespmem:s30], [sflag:$0x4], $0x80, $0x38;
	[tilespmem:$0x14C00] =	vst v63  }
0x301: {  	s26 =	sadd.s32 $0x1, s26;
	s28 =	sadd.s32 $0x12C20, s0;
	s29 =	sadd.s32 $0x40, s2  }
0x302: {  	[hbm4b:s29+s3] =	stream.linear.scatter [tilespmem:s28], [sflag:$0x4], $0x80, $0x38;
	[tilespmem:$0x14C00] =	vst v63  }
0x303: {  	p1 =	sne.s32 s26, $0xC8;
	s30 =	sadd.s32 $0x12CA8, s0;
	s31 =	sadd.s32 $0x50, s2  }
0x304: {  	[hbm4b:s31+s3] =	stream.linear.scatter [tilespmem:s30], [sflag:$0x4], $0x80, $0x38;
	[tilespmem:$0x14C00] =	vst v63  }
.Ltmp8:
0x305: {  	_ = 	snop;
	(pc) =	sbr.rel @p1 .LBB2_11-.Ltmp8, $4  }
0x306: {  	s28 =	sadd.s32 $0x12D30, s0;
	s29 =	sadd.s32 $0x60, s2  }
0x307: {  	[hbm4b:s29+s3] =	stream.linear.scatter [tilespmem:s28], [sflag:$0x4], $0x80, $0x38;
	[tilespmem:$0x14C00] =	vst v63  }
0x308: {  	s30 =	sadd.s32 $0x12DB8, s0;
	s31 =	sadd.s32 $0x70, s2  }
0x309: {  	[hbm4b:s31+s3] =	stream.linear.scatter [tilespmem:s30], [sflag:$0x4], $0x80, $0x38;
	[tilespmem:$0x14C00] =	vst v63  }
0x30a: {  	_ =	swait.ge [sflag:s22], $0x2000  }
.Ltmp9:
0x30b: {  	[sflag:s22] =	ssyncset.done $0x0;
	(pc) =	sbr.rel @p0 .LBB2_2-.Ltmp9, $4  }
0x30c: {  	[sflag:s22] =	ssyncadd.s32 $0xFFFFE000  }
0x30d: {  	_ =	swait.ge [sflag:s23], $0x2000  }
0x30e: {  	[sflag:s23] =	ssyncset.done $0x0  }
0x30f: {  	s25 =	simm.s32 $0x1;
	p1 =	por $0x0, $0x0;
	[sflag:s23] =	ssyncadd.s32 $0xFFFFE000  }
0x310: {  	s2 =	rddreg [dreg:$0x4]  }
0x311: {  	s0 =	rddreg [dreg:$0x3];
	s2 =	sadd.s32 $0x1, s2  }
0x312: {  	p0 =	sne.s32 s2, s0  }
.Ltmp10:
0x313: {  	_ = 	snop;
	(pc) =	sbr.rel @p0 .LBB2_1-.Ltmp10, $1  }
0x314: {  	_ =	sdelay $0x3  }
0x315: {  	_ =	sfence.sel $0x180000  }
0x316: {  	[bflag:$0x0] =	sbarrier.arrive $0xFFFF  }
0x317: {  	_ =	strace $0x90000047  }
0x318: {  	s0 =	stileid.u32;
	[bflag:$0x2] =	sbarrier.arrive $0xFFFF  }
0x319: {  	p0 =	sne.s32 s0, $0x0;
	s0 =	rddreg [dreg:$0x2]  }
0x31a: {  	s0 =	sadd.s32 @!p0 $0x100000, s0  }
0x31b: {  	[sflag:s0] =	ssyncadd.tile.s32 @!p0 $0x1;
	_ =	shalt  }
.Lfunc_end2:
_tile_overlayer_lowered:
.L_overlay_start_2:
0x31c: {  	(tag) =	ssettag $0x2  }
0x31d: {  	s0 =	rddreg [dreg:$0x0];
	s2 =	stileid.u32  }
0x31e: {  	s1 =	rddreg [dreg:$0x1];
	p0 =	sne.s32 s2, $0x0  }
0x31f: {  	s3 =	rddreg [dreg:$0x2];
	[bflag:$0x3] =	sbarrier.arrive $0xFFFF;
	s2 =	simm.s32 @!p0 $0x1C05  }
0x320: {  	[timem:s3], [sflag:s2] =	dma.local @!p0 [hbm:s0], s1  }
0x321: {  	s0 =	simm.s32 @!p0 $0x5  }
0x322: {  	_ =	swait.ge @!p0 [sflag:s0], s1  }
0x323: {  	s1 =	ssub.s32 @!p0 $0x0, s1;
	[sflag:s0] =	ssyncset.done @!p0 $0x0  }
0x324: {  	[sflag:s0] =	ssyncadd.s32 @!p0 s1  }
0x325: {  	[bflag:$0x3] =	sbarrier.arrive $0xFFFF  }
0x326: {  	_ =	shalt  }

</sc_bundles>
